<compile_context>
chip_gen: v7x
topology: tpu7x:2x2x1
jax: 0.10.2.dev20260603
libtpu: 0.0.44.dev20260713+nightly
codegen_flags: <defaults>
</compile_context>

<pallas_src>
import functools

import jax
import jax.numpy as jnp
from jax import lax
from jax.experimental import pallas as pl
from jax.experimental.pallas import tpu as pltpu
from jax.experimental.pallas import tpu_sc as plsc

L2_NORM = 0.0001

B = 4096
L = 50
D = 128
NW = 32
BPW = B // NW
CHUNK_U = 1
CHUNK_I = CHUNK_U * L
NCHUNK = BPW // CHUNK_U
DC = D // 16
NBUF = 4


def _sc_kernel(users_hbm, items_hbm, uemb_hbm, iemb_hbm,
               pred_hbm, l2_hbm,
               uidx_v, iidx_v, urows_v,
               irows0_v, irows1_v, irows2_v, irows3_v, predbuf_v,
               l2buf_v, sqi_v, squ_v, sem0, sem1, sem2, sem3, sem_u):
    wid = lax.axis_index("s") * 2 + lax.axis_index("c")
    base = wid * BPW
    bufs = (irows0_v, irows1_v, irows2_v, irows3_v)
    sems = (sem0, sem1, sem2, sem3)

    zero = jnp.zeros((16,), jnp.float32)
    sqi_v[...] = zero
    squ_v[...] = zero

    pltpu.sync_copy(users_hbm.at[pl.ds(base, BPW)], uidx_v)
    pltpu.sync_copy(items_hbm.at[pl.ds(wid * NCHUNK, NCHUNK), :], iidx_v)

    ucopy = pltpu.async_copy(uemb_hbm.at[uidx_v], urows_v, sem_u)

    def start_gather(g, buf, sem):
        pltpu.async_copy(iemb_hbm.at[iidx_v.at[g]], buf, sem)

    def wait_gather(buf, sem):
        pltpu.make_async_copy(
            iemb_hbm.at[iidx_v.at[0]], buf, sem).wait()

    lane15 = lax.iota(jnp.int32, 16) == 15

    def tree8(t):
        return ((t[0] + t[1]) + (t[2] + t[3])) + ((t[4] + t[5]) + (t[6] + t[7]))

    def compute_chunk(g, carry, buf):
        for j in range(CHUNK_U):
            b = g * CHUNK_U + j
            pred_base = b * L
            u = [urows_v[b, pl.ds(c * 16, 16)] for c in range(DC)]
            plsc.addupdate(squ_v.at[...], tree8([x * x for x in u]))

            @plsc.parallel_loop(0, L, unroll=2)
            def item_body(l, j=j, u=u, pred_base=pred_base):
                row = j * L + l
                iv = [buf[row, pl.ds(c * 16, 16)] for c in range(DC)]
                prod = u[0] * iv[0]
                sq = iv[0] * iv[0]
                for c in range(1, DC):
                    prod = prod + u[c] * iv[c]
                    sq = sq + iv[c] * iv[c]
                prod_scan = plsc.cumsum(prod)
                plsc.store_scatter(
                    predbuf_v,
                    [jnp.full((16,), pred_base + l, jnp.int32)],
                    prod_scan,
                    mask=lane15,
                )
                plsc.addupdate(sqi_v.at[...], sq)
        return carry

    for p in range(NBUF - 1):
        start_gather(p, bufs[p], sems[p])
    ucopy.wait()

    def pipe_body(k, carry):
        for p in range(NBUF):
            g = k * NBUF + p

            @pl.when(g + NBUF - 1 < NCHUNK)
            def _(g=g, p=p):
                start_gather(g + NBUF - 1, bufs[(p + NBUF - 1) % NBUF],
                             sems[(p + NBUF - 1) % NBUF])

            wait_gather(bufs[p], sems[p])
            carry = compute_chunk(g, carry, bufs[p])
        return carry

    lax.fori_loop(0, NCHUNK // NBUF, pipe_body, 0)

    l2buf_v[...] = sqi_v[...] + float(L) * squ_v[...]
    pltpu.sync_copy(l2buf_v, l2_hbm.at[wid])
    pltpu.sync_copy(predbuf_v, pred_hbm.at[pl.ds(base * L, BPW * L)])


@jax.jit
def _run(users, items2d, uemb, iemb):
    mesh = plsc.VectorSubcoreMesh(core_axis_name="c", subcore_axis_name="s")
    kern = functools.partial(
        pl.kernel,
        mesh=mesh,
        compiler_params=pltpu.CompilerParams(needs_layout_passes=False),
        out_type=[
            jax.ShapeDtypeStruct((B * L,), jnp.float32),
            jax.ShapeDtypeStruct((NW, 16), jnp.float32),
        ],
        scratch_types=[
            pltpu.VMEM((BPW,), jnp.int32),
            pltpu.VMEM((NCHUNK, CHUNK_I), jnp.int32),
            pltpu.VMEM((BPW, D), jnp.float32),
            pltpu.VMEM((CHUNK_I, D), jnp.float32),
            pltpu.VMEM((CHUNK_I, D), jnp.float32),
            pltpu.VMEM((CHUNK_I, D), jnp.float32),
            pltpu.VMEM((CHUNK_I, D), jnp.float32),
            pltpu.VMEM((BPW * L,), jnp.float32),
            pltpu.VMEM((16,), jnp.float32),
            pltpu.VMEM((16,), jnp.float32),
            pltpu.VMEM((16,), jnp.float32),
            pltpu.SemaphoreType.DMA,
            pltpu.SemaphoreType.DMA,
            pltpu.SemaphoreType.DMA,
            pltpu.SemaphoreType.DMA,
            pltpu.SemaphoreType.DMA,
        ],
    )(_sc_kernel)
    pred_flat, l2_part = kern(users, items2d, uemb, iemb)
    pred = pred_flat.reshape(B, L)
    l2 = L2_NORM * jnp.sum(l2_part)
    return pred, l2


def kernel(users, items, user_embedding, item_embedding):
    users = users.astype(jnp.int32)
    items2d = items.astype(jnp.int32).reshape(B * L // CHUNK_I, CHUNK_I)
    return _run(users, items2d, user_embedding, item_embedding)

# --- scband reference (transcript-rebuilt; emitter-appended) ---
"""Pipeline reference for scband-model-base-18296560681448 (READ-ONLY COPY).

The authoritative reference and input builder live on the scoring server;
editing this copy changes nothing except your own understanding.
"""

import jax, jax.numpy as jnp
import numpy as np

L2_NORM = 0.0001


def setup_inputs(seed: int = 0) -> dict:
    key = jax.random.key(seed)
    k1, k2, k3, k4 = jax.random.split(key, 4)
    users = jax.random.randint(k1, (4096,), 0, 100000, dtype=jnp.int64) if jax.config.jax_enable_x64 else jax.random.randint(k1, (4096,), 0, 100000)
    items = jax.random.randint(k2, (4096, 50), 0, 100000)
    # xavier_normal-like init for embedding tables sized per init_kwargs
    std = float(np.sqrt(2.0 / (100000 + 128)))
    user_embedding = jax.random.normal(k3, (100000, 128), dtype=jnp.float32) * std
    item_embedding = jax.random.normal(k4, (100000, 128), dtype=jnp.float32) * std
    return {
        "users": users,
        "items": items,
        "user_embedding": user_embedding,
        "item_embedding": item_embedding,
    }


def reference(users, items, user_embedding, item_embedding):
    # propagate(): identity MF-style propagation returning the raw tables
    users_feature, item_feature = user_embedding, item_embedding
    # item_feature[items] -> [B, L, D]
    item_embeddings = jnp.take(item_feature, items, axis=0)
    # users_feature[users].unsqueeze(1).expand(-1, L, -1)
    user_embeddings = jnp.broadcast_to(
        jnp.take(users_feature, users, axis=0)[:, None, :], item_embeddings.shape
    )
    # predict(): inner-product scoring
    pred = jnp.sum(user_embeddings * item_embeddings, axis=-1)
    # regularize(): L2 over the gathered embeddings
    L2_loss = L2_NORM * (
        jnp.sum(user_embeddings ** 2) + jnp.sum(item_embeddings ** 2)
    )
    return (pred, L2_loss)

if __name__ == "__main__":
    import jax
    _d = setup_inputs()
    print(jax.jit(kernel)(*tuple(_d.values())))

</pallas_src>

<mosaic_0001>
#map = affine_map<(d0, d1) -> (0)>
#map1 = affine_map<(d0, d1) -> (0, 0)>
module attributes {stable_mosaic.version = 14 : i64} {
  func.func @_sc_kernel(%arg0: i32, %arg1: i32, %arg2: memref<4096xi32, #tpu.memory_space<hbm>>, %arg3: memref<4096x50xi32, #tpu.memory_space<hbm>>, %arg4: memref<100000x128xf32, #tpu.memory_space<hbm>>, %arg5: memref<100000x128xf32, #tpu.memory_space<hbm>>, %arg6: memref<204800xf32, #tpu.memory_space<hbm>>, %arg7: memref<32x16xf32, #tpu.memory_space<hbm>>, %arg8: memref<128xi32, #tpu.memory_space<vmem>>, %arg9: memref<128x50xi32, #tpu.memory_space<vmem>>, %arg10: memref<128x128xf32, #tpu.memory_space<vmem>>, %arg11: memref<50x128xf32, #tpu.memory_space<vmem>>, %arg12: memref<50x128xf32, #tpu.memory_space<vmem>>, %arg13: memref<50x128xf32, #tpu.memory_space<vmem>>, %arg14: memref<50x128xf32, #tpu.memory_space<vmem>>, %arg15: memref<6400xf32, #tpu.memory_space<vmem>>, %arg16: memref<16xf32, #tpu.memory_space<vmem>>, %arg17: memref<16xf32, #tpu.memory_space<vmem>>, %arg18: memref<16xf32, #tpu.memory_space<vmem>>, %arg19: memref<!tpu.dma_semaphore, #tpu.memory_space<semaphore_mem>>, %arg20: memref<!tpu.dma_semaphore, #tpu.memory_space<semaphore_mem>>, %arg21: memref<!tpu.dma_semaphore, #tpu.memory_space<semaphore_mem>>, %arg22: memref<!tpu.dma_semaphore, #tpu.memory_space<semaphore_mem>>, %arg23: memref<!tpu.dma_semaphore, #tpu.memory_space<semaphore_mem>>) attributes {dimension_semantics = [#tpu.dimension_semantics<core_parallel>, #tpu.dimension_semantics<subcore_parallel>], iteration_bounds = array<i64: 2, 16>, scalar_prefetch = 0 : i64, scratch_operands = 16 : i64, tpu.core_type = #tpu.core_type<sc_vector_subcore>, window_params = [{transform_indices = #map}, {transform_indices = #map1}, {transform_indices = #map1}, {transform_indices = #map1}, {transform_indices = #map}, {transform_indices = #map1}]} {
    %mul3A = arith.constant 2 : i32
    %mul3A_0 = arith.muli %arg1, %mul3A : i32
    %add3A = arith.addi %mul3A_0, %arg0 : i32
    %mul3A_1 = arith.constant 128 : i32
    %mul3A_2 = arith.muli %add3A, %mul3A_1 : i32
    %broadcast_in_dim3A = arith.constant 0.000000e+00 : f32
    %broadcast_in_dim3A_3 = vector.broadcast %broadcast_in_dim3A : f32 to vector<16xf32>
    %swap3A = arith.constant 0 : index
    %swap3A_4 = tpu.vector_load %arg17[%swap3A] {strides = array<i32>} : memref<16xf32, #tpu.memory_space<vmem>>, vector<16xf32>,
    tpu.vector_store %arg17[%swap3A], %broadcast_in_dim3A_3 {strides = array<i32>} : memref<16xf32, #tpu.memory_space<vmem>>, vector<16xf32>,
    %swap3A_5 = arith.constant 0 : index
    %swap3A_6 = tpu.vector_load %arg18[%swap3A_5] {strides = array<i32>} : memref<16xf32, #tpu.memory_space<vmem>>, vector<16xf32>,
    tpu.vector_store %arg18[%swap3A_5], %broadcast_in_dim3A_3 {strides = array<i32>} : memref<16xf32, #tpu.memory_space<vmem>>, vector<16xf32>,
    "tpu.region"() ({
      %run_scoped3A = tpu.sem_alloc : memref<!tpu.dma_semaphore, #tpu.memory_space<semaphore_mem>>
      %dma_start3A_52 = tpu.memref_slice %arg2[%mul3A_2] : memref<4096xi32, #tpu.memory_space<hbm>> -> memref<128xi32, #tpu.memory_space<hbm>>
      %dma_start3A_53 = tpu.memref_slice %arg2[%mul3A_2] : memref<4096xi32, #tpu.memory_space<hbm>> -> memref<128xi32, #tpu.memory_space<hbm>>
      tpu.enqueue_dma source(%dma_start3A_53 : memref<128xi32, #tpu.memory_space<hbm>>) target(%arg8 : memref<128xi32, #tpu.memory_space<vmem>>) target_semaphore(%run_scoped3A : memref<!tpu.dma_semaphore, #tpu.memory_space<semaphore_mem>>)
      %dma_wait3A_54 = tpu.memref_slice %arg2[%mul3A_2] : memref<4096xi32, #tpu.memory_space<hbm>> -> memref<128xi32, #tpu.memory_space<hbm>>
      %dma_wait3A_55 = tpu.memref_slice %arg2[%mul3A_2] : memref<4096xi32, #tpu.memory_space<hbm>> -> memref<128xi32, #tpu.memory_space<hbm>>
      tpu.wait_dma2 semaphore(%run_scoped3A : memref<!tpu.dma_semaphore, #tpu.memory_space<semaphore_mem>>) src(%dma_wait3A_55 : memref<128xi32, #tpu.memory_space<hbm>>) dst(%arg8 : memref<128xi32, #tpu.memory_space<vmem>>)
      tpu.yield
    }) : () -> ()
    %mul3A_7 = arith.constant 128 : i32
    %mul3A_8 = arith.muli %add3A, %mul3A_7 : i32
    "tpu.region"() ({
      %run_scoped3A = tpu.sem_alloc : memref<!tpu.dma_semaphore, #tpu.memory_space<semaphore_mem>>
      %dma_start3A_52 = arith.constant 0 : i32
      %dma_start3A_53 = tpu.memref_slice %arg3[%mul3A_8, %dma_start3A_52] : memref<4096x50xi32, #tpu.memory_space<hbm>> -> memref<128x50xi32, #tpu.memory_space<hbm>>
      %dma_start3A_54 = arith.constant 0 : i32
      %dma_start3A_55 = tpu.memref_slice %arg3[%mul3A_8, %dma_start3A_54] : memref<4096x50xi32, #tpu.memory_space<hbm>> -> memref<128x50xi32, #tpu.memory_space<hbm>>
      tpu.enqueue_dma source(%dma_start3A_55 : memref<128x50xi32, #tpu.memory_space<hbm>>) target(%arg9 : memref<128x50xi32, #tpu.memory_space<vmem>>) target_semaphore(%run_scoped3A : memref<!tpu.dma_semaphore, #tpu.memory_space<semaphore_mem>>)
      %dma_wait3A_56 = arith.constant 0 : i32
      %dma_wait3A_57 = tpu.memref_slice %arg3[%mul3A_8, %dma_wait3A_56] : memref<4096x50xi32, #tpu.memory_space<hbm>> -> memref<128x50xi32, #tpu.memory_space<hbm>>
      %dma_wait3A_58 = arith.constant 0 : i32
      %dma_wait3A_59 = tpu.memref_slice %arg3[%mul3A_8, %dma_wait3A_58] : memref<4096x50xi32, #tpu.memory_space<hbm>> -> memref<128x50xi32, #tpu.memory_space<hbm>>
      tpu.wait_dma2 semaphore(%run_scoped3A : memref<!tpu.dma_semaphore, #tpu.memory_space<semaphore_mem>>) src(%dma_wait3A_59 : memref<128x50xi32, #tpu.memory_space<hbm>>) dst(%arg9 : memref<128x50xi32, #tpu.memory_space<vmem>>)
      tpu.yield
    }) : () -> ()
    %dma_start3A = arith.constant 0 : i32
    %dma_start3A_9 = arith.constant 0 : i32
    %dma_start3A_10 = tpu.memref_slice %arg4[%dma_start3A, %dma_start3A_9] : memref<100000x128xf32, #tpu.memory_space<hbm>> -> memref<100000x128xf32, #tpu.memory_space<hbm>>
    tpu.enqueue_indirect_dma source(%dma_start3A_10 : memref<100000x128xf32, #tpu.memory_space<hbm>>) target(%arg10 : memref<128x128xf32, #tpu.memory_space<vmem>>) offsets(%arg8 : memref<128xi32, #tpu.memory_space<vmem>>) semaphore(%arg23 : memref<!tpu.dma_semaphore, #tpu.memory_space<semaphore_mem>>)
    %iota3A = tpu.iota {dimensions = array<i32: 0>} : vector<16xi32>
    %eq3A = arith.constant 15 : i32
    %eq3A_11 = vector.broadcast %eq3A : i32 to vector<16xi32>
    %eq3A_12 = arith.cmpi eq, %iota3A, %eq3A_11 : vector<16xi32>
    %dma_start3A_13 = arith.constant 0 : i32
    %dma_start3A_14 = arith.constant 0 : i32
    %dma_start3A_15 = tpu.memref_slice %arg9[%dma_start3A_13, %dma_start3A_14] : memref<128x50xi32, #tpu.memory_space<vmem>> -> memref<1x50xi32, #tpu.memory_space<vmem>>
    %dma_start3A_16 = tpu.memref_squeeze %dma_start3A_15 : memref<1x50xi32, #tpu.memory_space<vmem>> -> memref<50xi32, #tpu.memory_space<vmem>>
    %dma_start3A_17 = arith.constant 0 : i32
    %dma_start3A_18 = arith.constant 0 : i32
    %dma_start3A_19 = tpu.memref_slice %arg5[%dma_start3A_17, %dma_start3A_18] : memref<100000x128xf32, #tpu.memory_space<hbm>> -> memref<100000x128xf32, #tpu.memory_space<hbm>>
    tpu.enqueue_indirect_dma source(%dma_start3A_19 : memref<100000x128xf32, #tpu.memory_space<hbm>>) target(%arg11 : memref<50x128xf32, #tpu.memory_space<vmem>>) offsets(%dma_start3A_16 : memref<50xi32, #tpu.memory_space<vmem>>) semaphore(%arg19 : memref<!tpu.dma_semaphore, #tpu.memory_space<semaphore_mem>>)
    %dma_start3A_20 = arith.constant 1 : i32
    %dma_start3A_21 = arith.constant 0 : i32
    %dma_start3A_22 = tpu.memref_slice %arg9[%dma_start3A_20, %dma_start3A_21] : memref<128x50xi32, #tpu.memory_space<vmem>> -> memref<1x50xi32, #tpu.memory_space<vmem>>
    %dma_start3A_23 = tpu.memref_squeeze %dma_start3A_22 : memref<1x50xi32, #tpu.memory_space<vmem>> -> memref<50xi32, #tpu.memory_space<vmem>>
    %dma_start3A_24 = arith.constant 0 : i32
    %dma_start3A_25 = arith.constant 0 : i32
    %dma_start3A_26 = tpu.memref_slice %arg5[%dma_start3A_24, %dma_start3A_25] : memref<100000x128xf32, #tpu.memory_space<hbm>> -> memref<100000x128xf32, #tpu.memory_space<hbm>>
    tpu.enqueue_indirect_dma source(%dma_start3A_26 : memref<100000x128xf32, #tpu.memory_space<hbm>>) target(%arg12 : memref<50x128xf32, #tpu.memory_space<vmem>>) offsets(%dma_start3A_23 : memref<50xi32, #tpu.memory_space<vmem>>) semaphore(%arg20 : memref<!tpu.dma_semaphore, #tpu.memory_space<semaphore_mem>>)
    %dma_start3A_27 = arith.constant 2 : i32
    %dma_start3A_28 = arith.constant 0 : i32
    %dma_start3A_29 = tpu.memref_slice %arg9[%dma_start3A_27, %dma_start3A_28] : memref<128x50xi32, #tpu.memory_space<vmem>> -> memref<1x50xi32, #tpu.memory_space<vmem>>
    %dma_start3A_30 = tpu.memref_squeeze %dma_start3A_29 : memref<1x50xi32, #tpu.memory_space<vmem>> -> memref<50xi32, #tpu.memory_space<vmem>>
    %dma_start3A_31 = arith.constant 0 : i32
    %dma_start3A_32 = arith.constant 0 : i32
    %dma_start3A_33 = tpu.memref_slice %arg5[%dma_start3A_31, %dma_start3A_32] : memref<100000x128xf32, #tpu.memory_space<hbm>> -> memref<100000x128xf32, #tpu.memory_space<hbm>>
    tpu.enqueue_indirect_dma source(%dma_start3A_33 : memref<100000x128xf32, #tpu.memory_space<hbm>>) target(%arg13 : memref<50x128xf32, #tpu.memory_space<vmem>>) offsets(%dma_start3A_30 : memref<50xi32, #tpu.memory_space<vmem>>) semaphore(%arg21 : memref<!tpu.dma_semaphore, #tpu.memory_space<semaphore_mem>>)
    %dma_wait3A = arith.constant 0 : i32
    %dma_wait3A_34 = arith.constant 0 : i32
    %dma_wait3A_35 = tpu.memref_slice %arg4[%dma_wait3A, %dma_wait3A_34] : memref<100000x128xf32, #tpu.memory_space<hbm>> -> memref<100000x128xf32, #tpu.memory_space<hbm>>
    tpu.wait_indirect_dma semaphore(%arg23 : memref<!tpu.dma_semaphore, #tpu.memory_space<semaphore_mem>>) src(%dma_wait3A_35 : memref<100000x128xf32, #tpu.memory_space<hbm>>) dst(%arg10 : memref<128x128xf32, #tpu.memory_space<vmem>>)
    %scan3A = arith.constant 0 : i32
    %scan3A_36 = arith.constant 0 : i32
    %scan3A_37 = arith.constant 32 : i32
    %scan3A_38 = arith.addi %scan3A_36, %scan3A_37 : i32
    %scan3A_39 = arith.constant 1 : i32
    scf.for %scan3A_52 = %scan3A_36 to %scan3A_38 step %scan3A_39  : i32 {
      %mul3A_53 = arith.constant 4 : i32
      %mul3A_54 = arith.muli %scan3A_52, %mul3A_53 : i32
      %add3A_55 = arith.constant 0 : i32
      %add3A_56 = arith.addi %mul3A_54, %add3A_55 : i32
      %add3A_57 = arith.constant 4 : i32
      %add3A_58 = arith.addi %add3A_56, %add3A_57 : i32
      %sub3A = arith.constant 1 : i32
      %sub3A_59 = arith.subi %add3A_58, %sub3A : i32
      %lt3A = arith.constant 128 : i32
      %lt3A_60 = arith.cmpi slt, %sub3A_59, %lt3A : i32
      %convert_element_type3A = arith.extui %lt3A_60 : i1 to i32
      %cond3A = arith.constant 0 : i32
      %cond3A_61 = arith.cmpi ne, %convert_element_type3A, %cond3A : i32
      scf.if %cond3A_61 {
        %add3A_328 = arith.constant 4 : i32
        %add3A_329 = arith.addi %add3A_56, %add3A_328 : i32
        %sub3A_330 = arith.constant 1 : i32
        %sub3A_331 = arith.subi %add3A_329, %sub3A_330 : i32
        %dma_start3A_332 = arith.constant 0 : i32
        %dma_start3A_333 = tpu.memref_slice %arg9[%sub3A_331, %dma_start3A_332] : memref<128x50xi32, #tpu.memory_space<vmem>> -> memref<1x50xi32, #tpu.memory_space<vmem>>
        %dma_start3A_334 = tpu.memref_squeeze %dma_start3A_333 : memref<1x50xi32, #tpu.memory_space<vmem>> -> memref<50xi32, #tpu.memory_space<vmem>>
        %dma_start3A_335 = arith.constant 0 : i32
        %dma_start3A_336 = arith.constant 0 : i32
        %dma_start3A_337 = tpu.memref_slice %arg5[%dma_start3A_335, %dma_start3A_336] : memref<100000x128xf32, #tpu.memory_space<hbm>> -> memref<100000x128xf32, #tpu.memory_space<hbm>>
        tpu.enqueue_indirect_dma source(%dma_start3A_337 : memref<100000x128xf32, #tpu.memory_space<hbm>>) target(%arg14 : memref<50x128xf32, #tpu.memory_space<vmem>>) offsets(%dma_start3A_334 : memref<50xi32, #tpu.memory_space<vmem>>) semaphore(%arg22 : memref<!tpu.dma_semaphore, #tpu.memory_space<semaphore_mem>>)
      } else {
      }
      %dma_wait3A_62 = arith.constant 0 : i32
      %dma_wait3A_63 = arith.constant 0 : i32
      %dma_wait3A_64 = tpu.memref_slice %arg9[%dma_wait3A_62, %dma_wait3A_63] : memref<128x50xi32, #tpu.memory_space<vmem>> -> memref<1x50xi32, #tpu.memory_space<vmem>>
      %dma_wait3A_65 = tpu.memref_squeeze %dma_wait3A_64 : memref<1x50xi32, #tpu.memory_space<vmem>> -> memref<50xi32, #tpu.memory_space<vmem>>
      %dma_wait3A_66 = arith.constant 0 : i32
      %dma_wait3A_67 = arith.constant 0 : i32
      %dma_wait3A_68 = tpu.memref_slice %arg5[%dma_wait3A_66, %dma_wait3A_67] : memref<100000x128xf32, #tpu.memory_space<hbm>> -> memref<100000x128xf32, #tpu.memory_space<hbm>>
      tpu.wait_indirect_dma semaphore(%arg19 : memref<!tpu.dma_semaphore, #tpu.memory_space<semaphore_mem>>) src(%dma_wait3A_68 : memref<100000x128xf32, #tpu.memory_space<hbm>>) dst(%arg11 : memref<50x128xf32, #tpu.memory_space<vmem>>)
      %mul3A_69 = arith.constant 1 : i32
      %mul3A_70 = arith.muli %add3A_56, %mul3A_69 : i32
      %add3A_71 = arith.constant 0 : i32
      %add3A_72 = arith.addi %mul3A_70, %add3A_71 : i32
      %mul3A_73 = arith.constant 50 : i32
      %mul3A_74 = arith.muli %add3A_72, %mul3A_73 : i32
      %get3A_75 = arith.index_cast %add3A_72 : i32 to index
      %get3A_76 = arith.constant 0 : index
      %get3A_77 = tpu.vector_load %arg10[%get3A_75, %get3A_76] {strides = array<i32>} : memref<128x128xf32, #tpu.memory_space<vmem>>, vector<16xf32>,
      %get3A_78 = arith.index_cast %add3A_72 : i32 to index
      %get3A_79 = arith.constant 16 : index
      %get3A_80 = tpu.vector_load %arg10[%get3A_78, %get3A_79] {strides = array<i32>} : memref<128x128xf32, #tpu.memory_space<vmem>>, vector<16xf32>,
      %get3A_81 = arith.index_cast %add3A_72 : i32 to index
      %get3A_82 = arith.constant 32 : index
      %get3A_83 = tpu.vector_load %arg10[%get3A_81, %get3A_82] {strides = array<i32>} : memref<128x128xf32, #tpu.memory_space<vmem>>, vector<16xf32>,
      %get3A_84 = arith.index_cast %add3A_72 : i32 to index
      %get3A_85 = arith.constant 48 : index
      %get3A_86 = tpu.vector_load %arg10[%get3A_84, %get3A_85] {strides = array<i32>} : memref<128x128xf32, #tpu.memory_space<vmem>>, vector<16xf32>,
      %get3A_87 = arith.index_cast %add3A_72 : i32 to index
      %get3A_88 = arith.constant 64 : index
      %get3A_89 = tpu.vector_load %arg10[%get3A_87, %get3A_88] {strides = array<i32>} : memref<128x128xf32, #tpu.memory_space<vmem>>, vector<16xf32>,
      %get3A_90 = arith.index_cast %add3A_72 : i32 to index
      %get3A_91 = arith.constant 80 : index
      %get3A_92 = tpu.vector_load %arg10[%get3A_90, %get3A_91] {strides = array<i32>} : memref<128x128xf32, #tpu.memory_space<vmem>>, vector<16xf32>,
      %get3A_93 = arith.index_cast %add3A_72 : i32 to index
      %get3A_94 = arith.constant 96 : index
      %get3A_95 = tpu.vector_load %arg10[%get3A_93, %get3A_94] {strides = array<i32>} : memref<128x128xf32, #tpu.memory_space<vmem>>, vector<16xf32>,
      %get3A_96 = arith.index_cast %add3A_72 : i32 to index
      %get3A_97 = arith.constant 112 : index
      %get3A_98 = tpu.vector_load %arg10[%get3A_96, %get3A_97] {strides = array<i32>} : memref<128x128xf32, #tpu.memory_space<vmem>>, vector<16xf32>,
      %mul3A_99 = arith.mulf %get3A_77, %get3A_77 : vector<16xf32>
      %mul3A_100 = arith.mulf %get3A_80, %get3A_80 : vector<16xf32>
      %mul3A_101 = arith.mulf %get3A_83, %get3A_83 : vector<16xf32>
      %mul3A_102 = arith.mulf %get3A_86, %get3A_86 : vector<16xf32>
      %mul3A_103 = arith.mulf %get3A_89, %get3A_89 : vector<16xf32>
      %mul3A_104 = arith.mulf %get3A_92, %get3A_92 : vector<16xf32>
      %mul3A_105 = arith.mulf %get3A_95, %get3A_95 : vector<16xf32>
      %mul3A_106 = arith.mulf %get3A_98, %get3A_98 : vector<16xf32>
      %add3A_107 = arith.addf %mul3A_99, %mul3A_100 : vector<16xf32>
      %add3A_108 = arith.addf %mul3A_101, %mul3A_102 : vector<16xf32>
      %add3A_109 = arith.addf %add3A_107, %add3A_108 : vector<16xf32>
      %add3A_110 = arith.addf %mul3A_103, %mul3A_104 : vector<16xf32>
      %add3A_111 = arith.addf %mul3A_105, %mul3A_106 : vector<16xf32>
      %add3A_112 = arith.addf %add3A_110, %add3A_111 : vector<16xf32>
      %add3A_113 = arith.addf %add3A_109, %add3A_112 : vector<16xf32>
      %swap3A_114 = arith.constant 0 : index
      %swap3A_115 = tpu.vector_load %arg18[%swap3A_114] {strides = array<i32>} : memref<16xf32, #tpu.memory_space<vmem>>, vector<16xf32>,
      tpu.vector_store %arg18[%swap3A_114], %add3A_113 {add = true, strides = array<i32>} : memref<16xf32, #tpu.memory_space<vmem>>, vector<16xf32>,
      %parallel_loop3A = arith.constant 0 : i32
      %parallel_loop3A_116 = arith.constant 50 : i32
      %parallel_loop3A_117 = arith.constant 1 : i32
      scf.for %parallel_loop3A_328 = %parallel_loop3A to %parallel_loop3A_116 step %parallel_loop3A_117  : i32 {
        %parallel_loop3A_329 = arith.constant 0 : i32
        %parallel_loop3A_330 = arith.addi %parallel_loop3A_329, %parallel_loop3A_328 : i32
        %parallel_loop3A_331 = arith.index_cast %parallel_loop3A_330 : i32 to index
        %parallel_loop3A_332 = arith.constant 0 : index
        %parallel_loop3A_333 = tpu.vector_load %arg11[%parallel_loop3A_331, %parallel_loop3A_332] {strides = array<i32>} : memref<50x128xf32, #tpu.memory_space<vmem>>, vector<16xf32>,
        %parallel_loop3A_334 = arith.index_cast %parallel_loop3A_330 : i32 to index
        %parallel_loop3A_335 = arith.constant 16 : index
        %parallel_loop3A_336 = tpu.vector_load %arg11[%parallel_loop3A_334, %parallel_loop3A_335] {strides = array<i32>} : memref<50x128xf32, #tpu.memory_space<vmem>>, vector<16xf32>,
        %parallel_loop3A_337 = arith.index_cast %parallel_loop3A_330 : i32 to index
        %parallel_loop3A_338 = arith.constant 32 : index
        %parallel_loop3A_339 = tpu.vector_load %arg11[%parallel_loop3A_337, %parallel_loop3A_338] {strides = array<i32>} : memref<50x128xf32, #tpu.memory_space<vmem>>, vector<16xf32>,
        %parallel_loop3A_340 = arith.index_cast %parallel_loop3A_330 : i32 to index
        %parallel_loop3A_341 = arith.constant 48 : index
        %parallel_loop3A_342 = tpu.vector_load %arg11[%parallel_loop3A_340, %parallel_loop3A_341] {strides = array<i32>} : memref<50x128xf32, #tpu.memory_space<vmem>>, vector<16xf32>,
        %parallel_loop3A_343 = arith.index_cast %parallel_loop3A_330 : i32 to index
        %parallel_loop3A_344 = arith.constant 64 : index
        %parallel_loop3A_345 = tpu.vector_load %arg11[%parallel_loop3A_343, %parallel_loop3A_344] {strides = array<i32>} : memref<50x128xf32, #tpu.memory_space<vmem>>, vector<16xf32>,
        %parallel_loop3A_346 = arith.index_cast %parallel_loop3A_330 : i32 to index
        %parallel_loop3A_347 = arith.constant 80 : index
        %parallel_loop3A_348 = tpu.vector_load %arg11[%parallel_loop3A_346, %parallel_loop3A_347] {strides = array<i32>} : memref<50x128xf32, #tpu.memory_space<vmem>>, vector<16xf32>,
        %parallel_loop3A_349 = arith.index_cast %parallel_loop3A_330 : i32 to index
        %parallel_loop3A_350 = arith.constant 96 : index
        %parallel_loop3A_351 = tpu.vector_load %arg11[%parallel_loop3A_349, %parallel_loop3A_350] {strides = array<i32>} : memref<50x128xf32, #tpu.memory_space<vmem>>, vector<16xf32>,
        %parallel_loop3A_352 = arith.index_cast %parallel_loop3A_330 : i32 to index
        %parallel_loop3A_353 = arith.constant 112 : index
        %parallel_loop3A_354 = tpu.vector_load %arg11[%parallel_loop3A_352, %parallel_loop3A_353] {strides = array<i32>} : memref<50x128xf32, #tpu.memory_space<vmem>>, vector<16xf32>,
        %parallel_loop3A_355 = arith.mulf %get3A_77, %parallel_loop3A_333 : vector<16xf32>
        %parallel_loop3A_356 = arith.mulf %parallel_loop3A_333, %parallel_loop3A_333 : vector<16xf32>
        %parallel_loop3A_357 = arith.mulf %get3A_80, %parallel_loop3A_336 : vector<16xf32>
        %parallel_loop3A_358 = arith.addf %parallel_loop3A_355, %parallel_loop3A_357 : vector<16xf32>
        %parallel_loop3A_359 = arith.mulf %parallel_loop3A_336, %parallel_loop3A_336 : vector<16xf32>
        %parallel_loop3A_360 = arith.addf %parallel_loop3A_356, %parallel_loop3A_359 : vector<16xf32>
        %parallel_loop3A_361 = arith.mulf %get3A_83, %parallel_loop3A_339 : vector<16xf32>
        %parallel_loop3A_362 = arith.addf %parallel_loop3A_358, %parallel_loop3A_361 : vector<16xf32>
        %parallel_loop3A_363 = arith.mulf %parallel_loop3A_339, %parallel_loop3A_339 : vector<16xf32>
        %parallel_loop3A_364 = arith.addf %parallel_loop3A_360, %parallel_loop3A_363 : vector<16xf32>
        %parallel_loop3A_365 = arith.mulf %get3A_86, %parallel_loop3A_342 : vector<16xf32>
        %parallel_loop3A_366 = arith.addf %parallel_loop3A_362, %parallel_loop3A_365 : vector<16xf32>
        %parallel_loop3A_367 = arith.mulf %parallel_loop3A_342, %parallel_loop3A_342 : vector<16xf32>
        %parallel_loop3A_368 = arith.addf %parallel_loop3A_364, %parallel_loop3A_367 : vector<16xf32>
        %parallel_loop3A_369 = arith.mulf %get3A_89, %parallel_loop3A_345 : vector<16xf32>
        %parallel_loop3A_370 = arith.addf %parallel_loop3A_366, %parallel_loop3A_369 : vector<16xf32>
        %parallel_loop3A_371 = arith.mulf %parallel_loop3A_345, %parallel_loop3A_345 : vector<16xf32>
        %parallel_loop3A_372 = arith.addf %parallel_loop3A_368, %parallel_loop3A_371 : vector<16xf32>
        %parallel_loop3A_373 = arith.mulf %get3A_92, %parallel_loop3A_348 : vector<16xf32>
        %parallel_loop3A_374 = arith.addf %parallel_loop3A_370, %parallel_loop3A_373 : vector<16xf32>
        %parallel_loop3A_375 = arith.mulf %parallel_loop3A_348, %parallel_loop3A_348 : vector<16xf32>
        %parallel_loop3A_376 = arith.addf %parallel_loop3A_372, %parallel_loop3A_375 : vector<16xf32>
        %parallel_loop3A_377 = arith.mulf %get3A_95, %parallel_loop3A_351 : vector<16xf32>
        %parallel_loop3A_378 = arith.addf %parallel_loop3A_374, %parallel_loop3A_377 : vector<16xf32>
        %parallel_loop3A_379 = arith.mulf %parallel_loop3A_351, %parallel_loop3A_351 : vector<16xf32>
        %parallel_loop3A_380 = arith.addf %parallel_loop3A_376, %parallel_loop3A_379 : vector<16xf32>
        %parallel_loop3A_381 = arith.mulf %get3A_98, %parallel_loop3A_354 : vector<16xf32>
        %parallel_loop3A_382 = arith.addf %parallel_loop3A_378, %parallel_loop3A_381 : vector<16xf32>
        %parallel_loop3A_383 = arith.mulf %parallel_loop3A_354, %parallel_loop3A_354 : vector<16xf32>
        %parallel_loop3A_384 = arith.addf %parallel_loop3A_380, %parallel_loop3A_383 : vector<16xf32>
        %parallel_loop3A_385 = arith.constant true
        %parallel_loop3A_386 = vector.broadcast %parallel_loop3A_385 : i1 to vector<16xi1>
        %parallel_loop3A_387 = tpu.scan <sum>, %parallel_loop3A_382 masked %parallel_loop3A_386 : vector<16xf32>, vector<16xi1> -> vector<16xf32>
        %parallel_loop3A_388 = arith.addi %mul3A_74, %parallel_loop3A_328 : i32
        %parallel_loop3A_389 = vector.broadcast %parallel_loop3A_388 : i32 to vector<16xi32>
        tpu.vector_store_idx %arg15[%parallel_loop3A_389], %parallel_loop3A_387 masked %eq3A_12 : memref<6400xf32, #tpu.memory_space<vmem>>[vector<16xi32>], vector<16xf32>, vector<16xi1>
        %parallel_loop3A_390 = arith.constant 0 : index
        %parallel_loop3A_391 = tpu.vector_load %arg17[%parallel_loop3A_390] {strides = array<i32>} : memref<16xf32, #tpu.memory_space<vmem>>, vector<16xf32>,
        tpu.vector_store %arg17[%parallel_loop3A_390], %parallel_loop3A_384 {add = true, strides = array<i32>} : memref<16xf32, #tpu.memory_space<vmem>>, vector<16xf32>,
      } {sc.loop_unroll_factor = 2 : i64, sc.parallel_access}
      %mul3A_118 = arith.constant 4 : i32
      %mul3A_119 = arith.muli %scan3A_52, %mul3A_118 : i32
      %add3A_120 = arith.constant 1 : i32
      %add3A_121 = arith.addi %mul3A_119, %add3A_120 : i32
      %add3A_122 = arith.constant 4 : i32
      %add3A_123 = arith.addi %add3A_121, %add3A_122 : i32
      %sub3A_124 = arith.constant 1 : i32
      %sub3A_125 = arith.subi %add3A_123, %sub3A_124 : i32
      %lt3A_126 = arith.constant 128 : i32
      %lt3A_127 = arith.cmpi slt, %sub3A_125, %lt3A_126 : i32
      %convert_element_type3A_128 = arith.extui %lt3A_127 : i1 to i32
      %cond3A_129 = arith.constant 0 : i32
      %cond3A_130 = arith.cmpi ne, %convert_element_type3A_128, %cond3A_129 : i32
      scf.if %cond3A_130 {
        %add3A_328 = arith.constant 4 : i32
        %add3A_329 = arith.addi %add3A_121, %add3A_328 : i32
        %sub3A_330 = arith.constant 1 : i32
        %sub3A_331 = arith.subi %add3A_329, %sub3A_330 : i32
        %dma_start3A_332 = arith.constant 0 : i32
        %dma_start3A_333 = tpu.memref_slice %arg9[%sub3A_331, %dma_start3A_332] : memref<128x50xi32, #tpu.memory_space<vmem>> -> memref<1x50xi32, #tpu.memory_space<vmem>>
        %dma_start3A_334 = tpu.memref_squeeze %dma_start3A_333 : memref<1x50xi32, #tpu.memory_space<vmem>> -> memref<50xi32, #tpu.memory_space<vmem>>
        %dma_start3A_335 = arith.constant 0 : i32
        %dma_start3A_336 = arith.constant 0 : i32
        %dma_start3A_337 = tpu.memref_slice %arg5[%dma_start3A_335, %dma_start3A_336] : memref<100000x128xf32, #tpu.memory_space<hbm>> -> memref<100000x128xf32, #tpu.memory_space<hbm>>
        tpu.enqueue_indirect_dma source(%dma_start3A_337 : memref<100000x128xf32, #tpu.memory_space<hbm>>) target(%arg11 : memref<50x128xf32, #tpu.memory_space<vmem>>) offsets(%dma_start3A_334 : memref<50xi32, #tpu.memory_space<vmem>>) semaphore(%arg19 : memref<!tpu.dma_semaphore, #tpu.memory_space<semaphore_mem>>)
      } else {
      }
      %dma_wait3A_131 = arith.constant 0 : i32
      %dma_wait3A_132 = arith.constant 0 : i32
      %dma_wait3A_133 = tpu.memref_slice %arg9[%dma_wait3A_131, %dma_wait3A_132] : memref<128x50xi32, #tpu.memory_space<vmem>> -> memref<1x50xi32, #tpu.memory_space<vmem>>
      %dma_wait3A_134 = tpu.memref_squeeze %dma_wait3A_133 : memref<1x50xi32, #tpu.memory_space<vmem>> -> memref<50xi32, #tpu.memory_space<vmem>>
      %dma_wait3A_135 = arith.constant 0 : i32
      %dma_wait3A_136 = arith.constant 0 : i32
      %dma_wait3A_137 = tpu.memref_slice %arg5[%dma_wait3A_135, %dma_wait3A_136] : memref<100000x128xf32, #tpu.memory_space<hbm>> -> memref<100000x128xf32, #tpu.memory_space<hbm>>
      tpu.wait_indirect_dma semaphore(%arg20 : memref<!tpu.dma_semaphore, #tpu.memory_space<semaphore_mem>>) src(%dma_wait3A_137 : memref<100000x128xf32, #tpu.memory_space<hbm>>) dst(%arg12 : memref<50x128xf32, #tpu.memory_space<vmem>>)
      %mul3A_138 = arith.constant 1 : i32
      %mul3A_139 = arith.muli %add3A_121, %mul3A_138 : i32
      %add3A_140 = arith.constant 0 : i32
      %add3A_141 = arith.addi %mul3A_139, %add3A_140 : i32
      %mul3A_142 = arith.constant 50 : i32
      %mul3A_143 = arith.muli %add3A_141, %mul3A_142 : i32
      %get3A_144 = arith.index_cast %add3A_141 : i32 to index
      %get3A_145 = arith.constant 0 : index
      %get3A_146 = tpu.vector_load %arg10[%get3A_144, %get3A_145] {strides = array<i32>} : memref<128x128xf32, #tpu.memory_space<vmem>>, vector<16xf32>,
      %get3A_147 = arith.index_cast %add3A_141 : i32 to index
      %get3A_148 = arith.constant 16 : index
      %get3A_149 = tpu.vector_load %arg10[%get3A_147, %get3A_148] {strides = array<i32>} : memref<128x128xf32, #tpu.memory_space<vmem>>, vector<16xf32>,
      %get3A_150 = arith.index_cast %add3A_141 : i32 to index
      %get3A_151 = arith.constant 32 : index
      %get3A_152 = tpu.vector_load %arg10[%get3A_150, %get3A_151] {strides = array<i32>} : memref<128x128xf32, #tpu.memory_space<vmem>>, vector<16xf32>,
      %get3A_153 = arith.index_cast %add3A_141 : i32 to index
      %get3A_154 = arith.constant 48 : index
      %get3A_155 = tpu.vector_load %arg10[%get3A_153, %get3A_154] {strides = array<i32>} : memref<128x128xf32, #tpu.memory_space<vmem>>, vector<16xf32>,
      %get3A_156 = arith.index_cast %add3A_141 : i32 to index
      %get3A_157 = arith.constant 64 : index
      %get3A_158 = tpu.vector_load %arg10[%get3A_156, %get3A_157] {strides = array<i32>} : memref<128x128xf32, #tpu.memory_space<vmem>>, vector<16xf32>,
      %get3A_159 = arith.index_cast %add3A_141 : i32 to index
      %get3A_160 = arith.constant 80 : index
      %get3A_161 = tpu.vector_load %arg10[%get3A_159, %get3A_160] {strides = array<i32>} : memref<128x128xf32, #tpu.memory_space<vmem>>, vector<16xf32>,
      %get3A_162 = arith.index_cast %add3A_141 : i32 to index
      %get3A_163 = arith.constant 96 : index
      %get3A_164 = tpu.vector_load %arg10[%get3A_162, %get3A_163] {strides = array<i32>} : memref<128x128xf32, #tpu.memory_space<vmem>>, vector<16xf32>,
      %get3A_165 = arith.index_cast %add3A_141 : i32 to index
      %get3A_166 = arith.constant 112 : index
      %get3A_167 = tpu.vector_load %arg10[%get3A_165, %get3A_166] {strides = array<i32>} : memref<128x128xf32, #tpu.memory_space<vmem>>, vector<16xf32>,
      %mul3A_168 = arith.mulf %get3A_146, %get3A_146 : vector<16xf32>
      %mul3A_169 = arith.mulf %get3A_149, %get3A_149 : vector<16xf32>
      %mul3A_170 = arith.mulf %get3A_152, %get3A_152 : vector<16xf32>
      %mul3A_171 = arith.mulf %get3A_155, %get3A_155 : vector<16xf32>
      %mul3A_172 = arith.mulf %get3A_158, %get3A_158 : vector<16xf32>
      %mul3A_173 = arith.mulf %get3A_161, %get3A_161 : vector<16xf32>
      %mul3A_174 = arith.mulf %get3A_164, %get3A_164 : vector<16xf32>
      %mul3A_175 = arith.mulf %get3A_167, %get3A_167 : vector<16xf32>
      %add3A_176 = arith.addf %mul3A_168, %mul3A_169 : vector<16xf32>
      %add3A_177 = arith.addf %mul3A_170, %mul3A_171 : vector<16xf32>
      %add3A_178 = arith.addf %add3A_176, %add3A_177 : vector<16xf32>
      %add3A_179 = arith.addf %mul3A_172, %mul3A_173 : vector<16xf32>
      %add3A_180 = arith.addf %mul3A_174, %mul3A_175 : vector<16xf32>
      %add3A_181 = arith.addf %add3A_179, %add3A_180 : vector<16xf32>
      %add3A_182 = arith.addf %add3A_178, %add3A_181 : vector<16xf32>
      %swap3A_183 = arith.constant 0 : index
      %swap3A_184 = tpu.vector_load %arg18[%swap3A_183] {strides = array<i32>} : memref<16xf32, #tpu.memory_space<vmem>>, vector<16xf32>,
      tpu.vector_store %arg18[%swap3A_183], %add3A_182 {add = true, strides = array<i32>} : memref<16xf32, #tpu.memory_space<vmem>>, vector<16xf32>,
      %parallel_loop3A_185 = arith.constant 0 : i32
      %parallel_loop3A_186 = arith.constant 50 : i32
      %parallel_loop3A_187 = arith.constant 1 : i32
      scf.for %parallel_loop3A_328 = %parallel_loop3A_185 to %parallel_loop3A_186 step %parallel_loop3A_187  : i32 {
        %parallel_loop3A_329 = arith.constant 0 : i32
        %parallel_loop3A_330 = arith.addi %parallel_loop3A_329, %parallel_loop3A_328 : i32
        %parallel_loop3A_331 = arith.index_cast %parallel_loop3A_330 : i32 to index
        %parallel_loop3A_332 = arith.constant 0 : index
        %parallel_loop3A_333 = tpu.vector_load %arg12[%parallel_loop3A_331, %parallel_loop3A_332] {strides = array<i32>} : memref<50x128xf32, #tpu.memory_space<vmem>>, vector<16xf32>,
        %parallel_loop3A_334 = arith.index_cast %parallel_loop3A_330 : i32 to index
        %parallel_loop3A_335 = arith.constant 16 : index
        %parallel_loop3A_336 = tpu.vector_load %arg12[%parallel_loop3A_334, %parallel_loop3A_335] {strides = array<i32>} : memref<50x128xf32, #tpu.memory_space<vmem>>, vector<16xf32>,
        %parallel_loop3A_337 = arith.index_cast %parallel_loop3A_330 : i32 to index
        %parallel_loop3A_338 = arith.constant 32 : index
        %parallel_loop3A_339 = tpu.vector_load %arg12[%parallel_loop3A_337, %parallel_loop3A_338] {strides = array<i32>} : memref<50x128xf32, #tpu.memory_space<vmem>>, vector<16xf32>,
        %parallel_loop3A_340 = arith.index_cast %parallel_loop3A_330 : i32 to index
        %parallel_loop3A_341 = arith.constant 48 : index
        %parallel_loop3A_342 = tpu.vector_load %arg12[%parallel_loop3A_340, %parallel_loop3A_341] {strides = array<i32>} : memref<50x128xf32, #tpu.memory_space<vmem>>, vector<16xf32>,
        %parallel_loop3A_343 = arith.index_cast %parallel_loop3A_330 : i32 to index
        %parallel_loop3A_344 = arith.constant 64 : index
        %parallel_loop3A_345 = tpu.vector_load %arg12[%parallel_loop3A_343, %parallel_loop3A_344] {strides = array<i32>} : memref<50x128xf32, #tpu.memory_space<vmem>>, vector<16xf32>,
        %parallel_loop3A_346 = arith.index_cast %parallel_loop3A_330 : i32 to index
        %parallel_loop3A_347 = arith.constant 80 : index
        %parallel_loop3A_348 = tpu.vector_load %arg12[%parallel_loop3A_346, %parallel_loop3A_347] {strides = array<i32>} : memref<50x128xf32, #tpu.memory_space<vmem>>, vector<16xf32>,
        %parallel_loop3A_349 = arith.index_cast %parallel_loop3A_330 : i32 to index
        %parallel_loop3A_350 = arith.constant 96 : index
        %parallel_loop3A_351 = tpu.vector_load %arg12[%parallel_loop3A_349, %parallel_loop3A_350] {strides = array<i32>} : memref<50x128xf32, #tpu.memory_space<vmem>>, vector<16xf32>,
        %parallel_loop3A_352 = arith.index_cast %parallel_loop3A_330 : i32 to index
        %parallel_loop3A_353 = arith.constant 112 : index
        %parallel_loop3A_354 = tpu.vector_load %arg12[%parallel_loop3A_352, %parallel_loop3A_353] {strides = array<i32>} : memref<50x128xf32, #tpu.memory_space<vmem>>, vector<16xf32>,
        %parallel_loop3A_355 = arith.mulf %get3A_146, %parallel_loop3A_333 : vector<16xf32>
        %parallel_loop3A_356 = arith.mulf %parallel_loop3A_333, %parallel_loop3A_333 : vector<16xf32>
        %parallel_loop3A_357 = arith.mulf %get3A_149, %parallel_loop3A_336 : vector<16xf32>
        %parallel_loop3A_358 = arith.addf %parallel_loop3A_355, %parallel_loop3A_357 : vector<16xf32>
        %parallel_loop3A_359 = arith.mulf %parallel_loop3A_336, %parallel_loop3A_336 : vector<16xf32>
        %parallel_loop3A_360 = arith.addf %parallel_loop3A_356, %parallel_loop3A_359 : vector<16xf32>
        %parallel_loop3A_361 = arith.mulf %get3A_152, %parallel_loop3A_339 : vector<16xf32>
        %parallel_loop3A_362 = arith.addf %parallel_loop3A_358, %parallel_loop3A_361 : vector<16xf32>
        %parallel_loop3A_363 = arith.mulf %parallel_loop3A_339, %parallel_loop3A_339 : vector<16xf32>
        %parallel_loop3A_364 = arith.addf %parallel_loop3A_360, %parallel_loop3A_363 : vector<16xf32>
        %parallel_loop3A_365 = arith.mulf %get3A_155, %parallel_loop3A_342 : vector<16xf32>
        %parallel_loop3A_366 = arith.addf %parallel_loop3A_362, %parallel_loop3A_365 : vector<16xf32>
        %parallel_loop3A_367 = arith.mulf %parallel_loop3A_342, %parallel_loop3A_342 : vector<16xf32>
        %parallel_loop3A_368 = arith.addf %parallel_loop3A_364, %parallel_loop3A_367 : vector<16xf32>
        %parallel_loop3A_369 = arith.mulf %get3A_158, %parallel_loop3A_345 : vector<16xf32>
        %parallel_loop3A_370 = arith.addf %parallel_loop3A_366, %parallel_loop3A_369 : vector<16xf32>
        %parallel_loop3A_371 = arith.mulf %parallel_loop3A_345, %parallel_loop3A_345 : vector<16xf32>
        %parallel_loop3A_372 = arith.addf %parallel_loop3A_368, %parallel_loop3A_371 : vector<16xf32>
        %parallel_loop3A_373 = arith.mulf %get3A_161, %parallel_loop3A_348 : vector<16xf32>
        %parallel_loop3A_374 = arith.addf %parallel_loop3A_370, %parallel_loop3A_373 : vector<16xf32>
        %parallel_loop3A_375 = arith.mulf %parallel_loop3A_348, %parallel_loop3A_348 : vector<16xf32>
        %parallel_loop3A_376 = arith.addf %parallel_loop3A_372, %parallel_loop3A_375 : vector<16xf32>
        %parallel_loop3A_377 = arith.mulf %get3A_164, %parallel_loop3A_351 : vector<16xf32>
        %parallel_loop3A_378 = arith.addf %parallel_loop3A_374, %parallel_loop3A_377 : vector<16xf32>
        %parallel_loop3A_379 = arith.mulf %parallel_loop3A_351, %parallel_loop3A_351 : vector<16xf32>
        %parallel_loop3A_380 = arith.addf %parallel_loop3A_376, %parallel_loop3A_379 : vector<16xf32>
        %parallel_loop3A_381 = arith.mulf %get3A_167, %parallel_loop3A_354 : vector<16xf32>
        %parallel_loop3A_382 = arith.addf %parallel_loop3A_378, %parallel_loop3A_381 : vector<16xf32>
        %parallel_loop3A_383 = arith.mulf %parallel_loop3A_354, %parallel_loop3A_354 : vector<16xf32>
        %parallel_loop3A_384 = arith.addf %parallel_loop3A_380, %parallel_loop3A_383 : vector<16xf32>
        %parallel_loop3A_385 = arith.constant true
        %parallel_loop3A_386 = vector.broadcast %parallel_loop3A_385 : i1 to vector<16xi1>
        %parallel_loop3A_387 = tpu.scan <sum>, %parallel_loop3A_382 masked %parallel_loop3A_386 : vector<16xf32>, vector<16xi1> -> vector<16xf32>
        %parallel_loop3A_388 = arith.addi %mul3A_143, %parallel_loop3A_328 : i32
        %parallel_loop3A_389 = vector.broadcast %parallel_loop3A_388 : i32 to vector<16xi32>
        tpu.vector_store_idx %arg15[%parallel_loop3A_389], %parallel_loop3A_387 masked %eq3A_12 : memref<6400xf32, #tpu.memory_space<vmem>>[vector<16xi32>], vector<16xf32>, vector<16xi1>
        %parallel_loop3A_390 = arith.constant 0 : index
        %parallel_loop3A_391 = tpu.vector_load %arg17[%parallel_loop3A_390] {strides = array<i32>} : memref<16xf32, #tpu.memory_space<vmem>>, vector<16xf32>,
        tpu.vector_store %arg17[%parallel_loop3A_390], %parallel_loop3A_384 {add = true, strides = array<i32>} : memref<16xf32, #tpu.memory_space<vmem>>, vector<16xf32>,
      } {sc.loop_unroll_factor = 2 : i64, sc.parallel_access}
      %mul3A_188 = arith.constant 4 : i32
      %mul3A_189 = arith.muli %scan3A_52, %mul3A_188 : i32
      %add3A_190 = arith.constant 2 : i32
      %add3A_191 = arith.addi %mul3A_189, %add3A_190 : i32
      %add3A_192 = arith.constant 4 : i32
      %add3A_193 = arith.addi %add3A_191, %add3A_192 : i32
      %sub3A_194 = arith.constant 1 : i32
      %sub3A_195 = arith.subi %add3A_193, %sub3A_194 : i32
      %lt3A_196 = arith.constant 128 : i32
      %lt3A_197 = arith.cmpi slt, %sub3A_195, %lt3A_196 : i32
      %convert_element_type3A_198 = arith.extui %lt3A_197 : i1 to i32
      %cond3A_199 = arith.constant 0 : i32
      %cond3A_200 = arith.cmpi ne, %convert_element_type3A_198, %cond3A_199 : i32
      scf.if %cond3A_200 {
        %add3A_328 = arith.constant 4 : i32
        %add3A_329 = arith.addi %add3A_191, %add3A_328 : i32
        %sub3A_330 = arith.constant 1 : i32
        %sub3A_331 = arith.subi %add3A_329, %sub3A_330 : i32
        %dma_start3A_332 = arith.constant 0 : i32
        %dma_start3A_333 = tpu.memref_slice %arg9[%sub3A_331, %dma_start3A_332] : memref<128x50xi32, #tpu.memory_space<vmem>> -> memref<1x50xi32, #tpu.memory_space<vmem>>
        %dma_start3A_334 = tpu.memref_squeeze %dma_start3A_333 : memref<1x50xi32, #tpu.memory_space<vmem>> -> memref<50xi32, #tpu.memory_space<vmem>>
        %dma_start3A_335 = arith.constant 0 : i32
        %dma_start3A_336 = arith.constant 0 : i32
        %dma_start3A_337 = tpu.memref_slice %arg5[%dma_start3A_335, %dma_start3A_336] : memref<100000x128xf32, #tpu.memory_space<hbm>> -> memref<100000x128xf32, #tpu.memory_space<hbm>>
        tpu.enqueue_indirect_dma source(%dma_start3A_337 : memref<100000x128xf32, #tpu.memory_space<hbm>>) target(%arg12 : memref<50x128xf32, #tpu.memory_space<vmem>>) offsets(%dma_start3A_334 : memref<50xi32, #tpu.memory_space<vmem>>) semaphore(%arg20 : memref<!tpu.dma_semaphore, #tpu.memory_space<semaphore_mem>>)
      } else {
      }
      %dma_wait3A_201 = arith.constant 0 : i32
      %dma_wait3A_202 = arith.constant 0 : i32
      %dma_wait3A_203 = tpu.memref_slice %arg9[%dma_wait3A_201, %dma_wait3A_202] : memref<128x50xi32, #tpu.memory_space<vmem>> -> memref<1x50xi32, #tpu.memory_space<vmem>>
      %dma_wait3A_204 = tpu.memref_squeeze %dma_wait3A_203 : memref<1x50xi32, #tpu.memory_space<vmem>> -> memref<50xi32, #tpu.memory_space<vmem>>
      %dma_wait3A_205 = arith.constant 0 : i32
      %dma_wait3A_206 = arith.constant 0 : i32
      %dma_wait3A_207 = tpu.memref_slice %arg5[%dma_wait3A_205, %dma_wait3A_206] : memref<100000x128xf32, #tpu.memory_space<hbm>> -> memref<100000x128xf32, #tpu.memory_space<hbm>>
      tpu.wait_indirect_dma semaphore(%arg21 : memref<!tpu.dma_semaphore, #tpu.memory_space<semaphore_mem>>) src(%dma_wait3A_207 : memref<100000x128xf32, #tpu.memory_space<hbm>>) dst(%arg13 : memref<50x128xf32, #tpu.memory_space<vmem>>)
      %mul3A_208 = arith.constant 1 : i32
      %mul3A_209 = arith.muli %add3A_191, %mul3A_208 : i32
      %add3A_210 = arith.constant 0 : i32
      %add3A_211 = arith.addi %mul3A_209, %add3A_210 : i32
      %mul3A_212 = arith.constant 50 : i32
      %mul3A_213 = arith.muli %add3A_211, %mul3A_212 : i32
      %get3A_214 = arith.index_cast %add3A_211 : i32 to index
      %get3A_215 = arith.constant 0 : index
      %get3A_216 = tpu.vector_load %arg10[%get3A_214, %get3A_215] {strides = array<i32>} : memref<128x128xf32, #tpu.memory_space<vmem>>, vector<16xf32>,
      %get3A_217 = arith.index_cast %add3A_211 : i32 to index
      %get3A_218 = arith.constant 16 : index
      %get3A_219 = tpu.vector_load %arg10[%get3A_217, %get3A_218] {strides = array<i32>} : memref<128x128xf32, #tpu.memory_space<vmem>>, vector<16xf32>,
      %get3A_220 = arith.index_cast %add3A_211 : i32 to index
      %get3A_221 = arith.constant 32 : index
      %get3A_222 = tpu.vector_load %arg10[%get3A_220, %get3A_221] {strides = array<i32>} : memref<128x128xf32, #tpu.memory_space<vmem>>, vector<16xf32>,
      %get3A_223 = arith.index_cast %add3A_211 : i32 to index
      %get3A_224 = arith.constant 48 : index
      %get3A_225 = tpu.vector_load %arg10[%get3A_223, %get3A_224] {strides = array<i32>} : memref<128x128xf32, #tpu.memory_space<vmem>>, vector<16xf32>,
      %get3A_226 = arith.index_cast %add3A_211 : i32 to index
      %get3A_227 = arith.constant 64 : index
      %get3A_228 = tpu.vector_load %arg10[%get3A_226, %get3A_227] {strides = array<i32>} : memref<128x128xf32, #tpu.memory_space<vmem>>, vector<16xf32>,
      %get3A_229 = arith.index_cast %add3A_211 : i32 to index
      %get3A_230 = arith.constant 80 : index
      %get3A_231 = tpu.vector_load %arg10[%get3A_229, %get3A_230] {strides = array<i32>} : memref<128x128xf32, #tpu.memory_space<vmem>>, vector<16xf32>,
      %get3A_232 = arith.index_cast %add3A_211 : i32 to index
      %get3A_233 = arith.constant 96 : index
      %get3A_234 = tpu.vector_load %arg10[%get3A_232, %get3A_233] {strides = array<i32>} : memref<128x128xf32, #tpu.memory_space<vmem>>, vector<16xf32>,
      %get3A_235 = arith.index_cast %add3A_211 : i32 to index
      %get3A_236 = arith.constant 112 : index
      %get3A_237 = tpu.vector_load %arg10[%get3A_235, %get3A_236] {strides = array<i32>} : memref<128x128xf32, #tpu.memory_space<vmem>>, vector<16xf32>,
      %mul3A_238 = arith.mulf %get3A_216, %get3A_216 : vector<16xf32>
      %mul3A_239 = arith.mulf %get3A_219, %get3A_219 : vector<16xf32>
      %mul3A_240 = arith.mulf %get3A_222, %get3A_222 : vector<16xf32>
      %mul3A_241 = arith.mulf %get3A_225, %get3A_225 : vector<16xf32>
      %mul3A_242 = arith.mulf %get3A_228, %get3A_228 : vector<16xf32>
      %mul3A_243 = arith.mulf %get3A_231, %get3A_231 : vector<16xf32>
      %mul3A_244 = arith.mulf %get3A_234, %get3A_234 : vector<16xf32>
      %mul3A_245 = arith.mulf %get3A_237, %get3A_237 : vector<16xf32>
      %add3A_246 = arith.addf %mul3A_238, %mul3A_239 : vector<16xf32>
      %add3A_247 = arith.addf %mul3A_240, %mul3A_241 : vector<16xf32>
      %add3A_248 = arith.addf %add3A_246, %add3A_247 : vector<16xf32>
      %add3A_249 = arith.addf %mul3A_242, %mul3A_243 : vector<16xf32>
      %add3A_250 = arith.addf %mul3A_244, %mul3A_245 : vector<16xf32>
      %add3A_251 = arith.addf %add3A_249, %add3A_250 : vector<16xf32>
      %add3A_252 = arith.addf %add3A_248, %add3A_251 : vector<16xf32>
      %swap3A_253 = arith.constant 0 : index
      %swap3A_254 = tpu.vector_load %arg18[%swap3A_253] {strides = array<i32>} : memref<16xf32, #tpu.memory_space<vmem>>, vector<16xf32>,
      tpu.vector_store %arg18[%swap3A_253], %add3A_252 {add = true, strides = array<i32>} : memref<16xf32, #tpu.memory_space<vmem>>, vector<16xf32>,
      %parallel_loop3A_255 = arith.constant 0 : i32
      %parallel_loop3A_256 = arith.constant 50 : i32
      %parallel_loop3A_257 = arith.constant 1 : i32
      scf.for %parallel_loop3A_328 = %parallel_loop3A_255 to %parallel_loop3A_256 step %parallel_loop3A_257  : i32 {
        %parallel_loop3A_329 = arith.constant 0 : i32
        %parallel_loop3A_330 = arith.addi %parallel_loop3A_329, %parallel_loop3A_328 : i32
        %parallel_loop3A_331 = arith.index_cast %parallel_loop3A_330 : i32 to index
        %parallel_loop3A_332 = arith.constant 0 : index
        %parallel_loop3A_333 = tpu.vector_load %arg13[%parallel_loop3A_331, %parallel_loop3A_332] {strides = array<i32>} : memref<50x128xf32, #tpu.memory_space<vmem>>, vector<16xf32>,
        %parallel_loop3A_334 = arith.index_cast %parallel_loop3A_330 : i32 to index
        %parallel_loop3A_335 = arith.constant 16 : index
        %parallel_loop3A_336 = tpu.vector_load %arg13[%parallel_loop3A_334, %parallel_loop3A_335] {strides = array<i32>} : memref<50x128xf32, #tpu.memory_space<vmem>>, vector<16xf32>,
        %parallel_loop3A_337 = arith.index_cast %parallel_loop3A_330 : i32 to index
        %parallel_loop3A_338 = arith.constant 32 : index
        %parallel_loop3A_339 = tpu.vector_load %arg13[%parallel_loop3A_337, %parallel_loop3A_338] {strides = array<i32>} : memref<50x128xf32, #tpu.memory_space<vmem>>, vector<16xf32>,
        %parallel_loop3A_340 = arith.index_cast %parallel_loop3A_330 : i32 to index
        %parallel_loop3A_341 = arith.constant 48 : index
        %parallel_loop3A_342 = tpu.vector_load %arg13[%parallel_loop3A_340, %parallel_loop3A_341] {strides = array<i32>} : memref<50x128xf32, #tpu.memory_space<vmem>>, vector<16xf32>,
        %parallel_loop3A_343 = arith.index_cast %parallel_loop3A_330 : i32 to index
        %parallel_loop3A_344 = arith.constant 64 : index
        %parallel_loop3A_345 = tpu.vector_load %arg13[%parallel_loop3A_343, %parallel_loop3A_344] {strides = array<i32>} : memref<50x128xf32, #tpu.memory_space<vmem>>, vector<16xf32>,
        %parallel_loop3A_346 = arith.index_cast %parallel_loop3A_330 : i32 to index
        %parallel_loop3A_347 = arith.constant 80 : index
        %parallel_loop3A_348 = tpu.vector_load %arg13[%parallel_loop3A_346, %parallel_loop3A_347] {strides = array<i32>} : memref<50x128xf32, #tpu.memory_space<vmem>>, vector<16xf32>,
        %parallel_loop3A_349 = arith.index_cast %parallel_loop3A_330 : i32 to index
        %parallel_loop3A_350 = arith.constant 96 : index
        %parallel_loop3A_351 = tpu.vector_load %arg13[%parallel_loop3A_349, %parallel_loop3A_350] {strides = array<i32>} : memref<50x128xf32, #tpu.memory_space<vmem>>, vector<16xf32>,
        %parallel_loop3A_352 = arith.index_cast %parallel_loop3A_330 : i32 to index
        %parallel_loop3A_353 = arith.constant 112 : index
        %parallel_loop3A_354 = tpu.vector_load %arg13[%parallel_loop3A_352, %parallel_loop3A_353] {strides = array<i32>} : memref<50x128xf32, #tpu.memory_space<vmem>>, vector<16xf32>,
        %parallel_loop3A_355 = arith.mulf %get3A_216, %parallel_loop3A_333 : vector<16xf32>
        %parallel_loop3A_356 = arith.mulf %parallel_loop3A_333, %parallel_loop3A_333 : vector<16xf32>
        %parallel_loop3A_357 = arith.mulf %get3A_219, %parallel_loop3A_336 : vector<16xf32>
        %parallel_loop3A_358 = arith.addf %parallel_loop3A_355, %parallel_loop3A_357 : vector<16xf32>
        %parallel_loop3A_359 = arith.mulf %parallel_loop3A_336, %parallel_loop3A_336 : vector<16xf32>
        %parallel_loop3A_360 = arith.addf %parallel_loop3A_356, %parallel_loop3A_359 : vector<16xf32>
        %parallel_loop3A_361 = arith.mulf %get3A_222, %parallel_loop3A_339 : vector<16xf32>
        %parallel_loop3A_362 = arith.addf %parallel_loop3A_358, %parallel_loop3A_361 : vector<16xf32>
        %parallel_loop3A_363 = arith.mulf %parallel_loop3A_339, %parallel_loop3A_339 : vector<16xf32>
        %parallel_loop3A_364 = arith.addf %parallel_loop3A_360, %parallel_loop3A_363 : vector<16xf32>
        %parallel_loop3A_365 = arith.mulf %get3A_225, %parallel_loop3A_342 : vector<16xf32>
        %parallel_loop3A_366 = arith.addf %parallel_loop3A_362, %parallel_loop3A_365 : vector<16xf32>
        %parallel_loop3A_367 = arith.mulf %parallel_loop3A_342, %parallel_loop3A_342 : vector<16xf32>
        %parallel_loop3A_368 = arith.addf %parallel_loop3A_364, %parallel_loop3A_367 : vector<16xf32>
        %parallel_loop3A_369 = arith.mulf %get3A_228, %parallel_loop3A_345 : vector<16xf32>
        %parallel_loop3A_370 = arith.addf %parallel_loop3A_366, %parallel_loop3A_369 : vector<16xf32>
        %parallel_loop3A_371 = arith.mulf %parallel_loop3A_345, %parallel_loop3A_345 : vector<16xf32>
        %parallel_loop3A_372 = arith.addf %parallel_loop3A_368, %parallel_loop3A_371 : vector<16xf32>
        %parallel_loop3A_373 = arith.mulf %get3A_231, %parallel_loop3A_348 : vector<16xf32>
        %parallel_loop3A_374 = arith.addf %parallel_loop3A_370, %parallel_loop3A_373 : vector<16xf32>
        %parallel_loop3A_375 = arith.mulf %parallel_loop3A_348, %parallel_loop3A_348 : vector<16xf32>
        %parallel_loop3A_376 = arith.addf %parallel_loop3A_372, %parallel_loop3A_375 : vector<16xf32>
        %parallel_loop3A_377 = arith.mulf %get3A_234, %parallel_loop3A_351 : vector<16xf32>
        %parallel_loop3A_378 = arith.addf %parallel_loop3A_374, %parallel_loop3A_377 : vector<16xf32>
        %parallel_loop3A_379 = arith.mulf %parallel_loop3A_351, %parallel_loop3A_351 : vector<16xf32>
        %parallel_loop3A_380 = arith.addf %parallel_loop3A_376, %parallel_loop3A_379 : vector<16xf32>
        %parallel_loop3A_381 = arith.mulf %get3A_237, %parallel_loop3A_354 : vector<16xf32>
        %parallel_loop3A_382 = arith.addf %parallel_loop3A_378, %parallel_loop3A_381 : vector<16xf32>
        %parallel_loop3A_383 = arith.mulf %parallel_loop3A_354, %parallel_loop3A_354 : vector<16xf32>
        %parallel_loop3A_384 = arith.addf %parallel_loop3A_380, %parallel_loop3A_383 : vector<16xf32>
        %parallel_loop3A_385 = arith.constant true
        %parallel_loop3A_386 = vector.broadcast %parallel_loop3A_385 : i1 to vector<16xi1>
        %parallel_loop3A_387 = tpu.scan <sum>, %parallel_loop3A_382 masked %parallel_loop3A_386 : vector<16xf32>, vector<16xi1> -> vector<16xf32>
        %parallel_loop3A_388 = arith.addi %mul3A_213, %parallel_loop3A_328 : i32
        %parallel_loop3A_389 = vector.broadcast %parallel_loop3A_388 : i32 to vector<16xi32>
        tpu.vector_store_idx %arg15[%parallel_loop3A_389], %parallel_loop3A_387 masked %eq3A_12 : memref<6400xf32, #tpu.memory_space<vmem>>[vector<16xi32>], vector<16xf32>, vector<16xi1>
        %parallel_loop3A_390 = arith.constant 0 : index
        %parallel_loop3A_391 = tpu.vector_load %arg17[%parallel_loop3A_390] {strides = array<i32>} : memref<16xf32, #tpu.memory_space<vmem>>, vector<16xf32>,
        tpu.vector_store %arg17[%parallel_loop3A_390], %parallel_loop3A_384 {add = true, strides = array<i32>} : memref<16xf32, #tpu.memory_space<vmem>>, vector<16xf32>,
      } {sc.loop_unroll_factor = 2 : i64, sc.parallel_access}
      %mul3A_258 = arith.constant 4 : i32
      %mul3A_259 = arith.muli %scan3A_52, %mul3A_258 : i32
      %add3A_260 = arith.constant 3 : i32
      %add3A_261 = arith.addi %mul3A_259, %add3A_260 : i32
      %add3A_262 = arith.constant 4 : i32
      %add3A_263 = arith.addi %add3A_261, %add3A_262 : i32
      %sub3A_264 = arith.constant 1 : i32
      %sub3A_265 = arith.subi %add3A_263, %sub3A_264 : i32
      %lt3A_266 = arith.constant 128 : i32
      %lt3A_267 = arith.cmpi slt, %sub3A_265, %lt3A_266 : i32
      %convert_element_type3A_268 = arith.extui %lt3A_267 : i1 to i32
      %cond3A_269 = arith.constant 0 : i32
      %cond3A_270 = arith.cmpi ne, %convert_element_type3A_268, %cond3A_269 : i32
      scf.if %cond3A_270 {
        %add3A_328 = arith.constant 4 : i32
        %add3A_329 = arith.addi %add3A_261, %add3A_328 : i32
        %sub3A_330 = arith.constant 1 : i32
        %sub3A_331 = arith.subi %add3A_329, %sub3A_330 : i32
        %dma_start3A_332 = arith.constant 0 : i32
        %dma_start3A_333 = tpu.memref_slice %arg9[%sub3A_331, %dma_start3A_332] : memref<128x50xi32, #tpu.memory_space<vmem>> -> memref<1x50xi32, #tpu.memory_space<vmem>>
        %dma_start3A_334 = tpu.memref_squeeze %dma_start3A_333 : memref<1x50xi32, #tpu.memory_space<vmem>> -> memref<50xi32, #tpu.memory_space<vmem>>
        %dma_start3A_335 = arith.constant 0 : i32
        %dma_start3A_336 = arith.constant 0 : i32
        %dma_start3A_337 = tpu.memref_slice %arg5[%dma_start3A_335, %dma_start3A_336] : memref<100000x128xf32, #tpu.memory_space<hbm>> -> memref<100000x128xf32, #tpu.memory_space<hbm>>
        tpu.enqueue_indirect_dma source(%dma_start3A_337 : memref<100000x128xf32, #tpu.memory_space<hbm>>) target(%arg13 : memref<50x128xf32, #tpu.memory_space<vmem>>) offsets(%dma_start3A_334 : memref<50xi32, #tpu.memory_space<vmem>>) semaphore(%arg21 : memref<!tpu.dma_semaphore, #tpu.memory_space<semaphore_mem>>)
      } else {
      }
      %dma_wait3A_271 = arith.constant 0 : i32
      %dma_wait3A_272 = arith.constant 0 : i32
      %dma_wait3A_273 = tpu.memref_slice %arg9[%dma_wait3A_271, %dma_wait3A_272] : memref<128x50xi32, #tpu.memory_space<vmem>> -> memref<1x50xi32, #tpu.memory_space<vmem>>
      %dma_wait3A_274 = tpu.memref_squeeze %dma_wait3A_273 : memref<1x50xi32, #tpu.memory_space<vmem>> -> memref<50xi32, #tpu.memory_space<vmem>>
      %dma_wait3A_275 = arith.constant 0 : i32
      %dma_wait3A_276 = arith.constant 0 : i32
      %dma_wait3A_277 = tpu.memref_slice %arg5[%dma_wait3A_275, %dma_wait3A_276] : memref<100000x128xf32, #tpu.memory_space<hbm>> -> memref<100000x128xf32, #tpu.memory_space<hbm>>
      tpu.wait_indirect_dma semaphore(%arg22 : memref<!tpu.dma_semaphore, #tpu.memory_space<semaphore_mem>>) src(%dma_wait3A_277 : memref<100000x128xf32, #tpu.memory_space<hbm>>) dst(%arg14 : memref<50x128xf32, #tpu.memory_space<vmem>>)
      %mul3A_278 = arith.constant 1 : i32
      %mul3A_279 = arith.muli %add3A_261, %mul3A_278 : i32
      %add3A_280 = arith.constant 0 : i32
      %add3A_281 = arith.addi %mul3A_279, %add3A_280 : i32
      %mul3A_282 = arith.constant 50 : i32
      %mul3A_283 = arith.muli %add3A_281, %mul3A_282 : i32
      %get3A_284 = arith.index_cast %add3A_281 : i32 to index
      %get3A_285 = arith.constant 0 : index
      %get3A_286 = tpu.vector_load %arg10[%get3A_284, %get3A_285] {strides = array<i32>} : memref<128x128xf32, #tpu.memory_space<vmem>>, vector<16xf32>,
      %get3A_287 = arith.index_cast %add3A_281 : i32 to index
      %get3A_288 = arith.constant 16 : index
      %get3A_289 = tpu.vector_load %arg10[%get3A_287, %get3A_288] {strides = array<i32>} : memref<128x128xf32, #tpu.memory_space<vmem>>, vector<16xf32>,
      %get3A_290 = arith.index_cast %add3A_281 : i32 to index
      %get3A_291 = arith.constant 32 : index
      %get3A_292 = tpu.vector_load %arg10[%get3A_290, %get3A_291] {strides = array<i32>} : memref<128x128xf32, #tpu.memory_space<vmem>>, vector<16xf32>,
      %get3A_293 = arith.index_cast %add3A_281 : i32 to index
      %get3A_294 = arith.constant 48 : index
      %get3A_295 = tpu.vector_load %arg10[%get3A_293, %get3A_294] {strides = array<i32>} : memref<128x128xf32, #tpu.memory_space<vmem>>, vector<16xf32>,
      %get3A_296 = arith.index_cast %add3A_281 : i32 to index
      %get3A_297 = arith.constant 64 : index
      %get3A_298 = tpu.vector_load %arg10[%get3A_296, %get3A_297] {strides = array<i32>} : memref<128x128xf32, #tpu.memory_space<vmem>>, vector<16xf32>,
      %get3A_299 = arith.index_cast %add3A_281 : i32 to index
      %get3A_300 = arith.constant 80 : index
      %get3A_301 = tpu.vector_load %arg10[%get3A_299, %get3A_300] {strides = array<i32>} : memref<128x128xf32, #tpu.memory_space<vmem>>, vector<16xf32>,
      %get3A_302 = arith.index_cast %add3A_281 : i32 to index
      %get3A_303 = arith.constant 96 : index
      %get3A_304 = tpu.vector_load %arg10[%get3A_302, %get3A_303] {strides = array<i32>} : memref<128x128xf32, #tpu.memory_space<vmem>>, vector<16xf32>,
      %get3A_305 = arith.index_cast %add3A_281 : i32 to index
      %get3A_306 = arith.constant 112 : index
      %get3A_307 = tpu.vector_load %arg10[%get3A_305, %get3A_306] {strides = array<i32>} : memref<128x128xf32, #tpu.memory_space<vmem>>, vector<16xf32>,
      %mul3A_308 = arith.mulf %get3A_286, %get3A_286 : vector<16xf32>
      %mul3A_309 = arith.mulf %get3A_289, %get3A_289 : vector<16xf32>
      %mul3A_310 = arith.mulf %get3A_292, %get3A_292 : vector<16xf32>
      %mul3A_311 = arith.mulf %get3A_295, %get3A_295 : vector<16xf32>
      %mul3A_312 = arith.mulf %get3A_298, %get3A_298 : vector<16xf32>
      %mul3A_313 = arith.mulf %get3A_301, %get3A_301 : vector<16xf32>
      %mul3A_314 = arith.mulf %get3A_304, %get3A_304 : vector<16xf32>
      %mul3A_315 = arith.mulf %get3A_307, %get3A_307 : vector<16xf32>
      %add3A_316 = arith.addf %mul3A_308, %mul3A_309 : vector<16xf32>
      %add3A_317 = arith.addf %mul3A_310, %mul3A_311 : vector<16xf32>
      %add3A_318 = arith.addf %add3A_316, %add3A_317 : vector<16xf32>
      %add3A_319 = arith.addf %mul3A_312, %mul3A_313 : vector<16xf32>
      %add3A_320 = arith.addf %mul3A_314, %mul3A_315 : vector<16xf32>
      %add3A_321 = arith.addf %add3A_319, %add3A_320 : vector<16xf32>
      %add3A_322 = arith.addf %add3A_318, %add3A_321 : vector<16xf32>
      %swap3A_323 = arith.constant 0 : index
      %swap3A_324 = tpu.vector_load %arg18[%swap3A_323] {strides = array<i32>} : memref<16xf32, #tpu.memory_space<vmem>>, vector<16xf32>,
      tpu.vector_store %arg18[%swap3A_323], %add3A_322 {add = true, strides = array<i32>} : memref<16xf32, #tpu.memory_space<vmem>>, vector<16xf32>,
      %parallel_loop3A_325 = arith.constant 0 : i32
      %parallel_loop3A_326 = arith.constant 50 : i32
      %parallel_loop3A_327 = arith.constant 1 : i32
      scf.for %parallel_loop3A_328 = %parallel_loop3A_325 to %parallel_loop3A_326 step %parallel_loop3A_327  : i32 {
        %parallel_loop3A_329 = arith.constant 0 : i32
        %parallel_loop3A_330 = arith.addi %parallel_loop3A_329, %parallel_loop3A_328 : i32
        %parallel_loop3A_331 = arith.index_cast %parallel_loop3A_330 : i32 to index
        %parallel_loop3A_332 = arith.constant 0 : index
        %parallel_loop3A_333 = tpu.vector_load %arg14[%parallel_loop3A_331, %parallel_loop3A_332] {strides = array<i32>} : memref<50x128xf32, #tpu.memory_space<vmem>>, vector<16xf32>,
        %parallel_loop3A_334 = arith.index_cast %parallel_loop3A_330 : i32 to index
        %parallel_loop3A_335 = arith.constant 16 : index
        %parallel_loop3A_336 = tpu.vector_load %arg14[%parallel_loop3A_334, %parallel_loop3A_335] {strides = array<i32>} : memref<50x128xf32, #tpu.memory_space<vmem>>, vector<16xf32>,
        %parallel_loop3A_337 = arith.index_cast %parallel_loop3A_330 : i32 to index
        %parallel_loop3A_338 = arith.constant 32 : index
        %parallel_loop3A_339 = tpu.vector_load %arg14[%parallel_loop3A_337, %parallel_loop3A_338] {strides = array<i32>} : memref<50x128xf32, #tpu.memory_space<vmem>>, vector<16xf32>,
        %parallel_loop3A_340 = arith.index_cast %parallel_loop3A_330 : i32 to index
        %parallel_loop3A_341 = arith.constant 48 : index
        %parallel_loop3A_342 = tpu.vector_load %arg14[%parallel_loop3A_340, %parallel_loop3A_341] {strides = array<i32>} : memref<50x128xf32, #tpu.memory_space<vmem>>, vector<16xf32>,
        %parallel_loop3A_343 = arith.index_cast %parallel_loop3A_330 : i32 to index
        %parallel_loop3A_344 = arith.constant 64 : index
        %parallel_loop3A_345 = tpu.vector_load %arg14[%parallel_loop3A_343, %parallel_loop3A_344] {strides = array<i32>} : memref<50x128xf32, #tpu.memory_space<vmem>>, vector<16xf32>,
        %parallel_loop3A_346 = arith.index_cast %parallel_loop3A_330 : i32 to index
        %parallel_loop3A_347 = arith.constant 80 : index
        %parallel_loop3A_348 = tpu.vector_load %arg14[%parallel_loop3A_346, %parallel_loop3A_347] {strides = array<i32>} : memref<50x128xf32, #tpu.memory_space<vmem>>, vector<16xf32>,
        %parallel_loop3A_349 = arith.index_cast %parallel_loop3A_330 : i32 to index
        %parallel_loop3A_350 = arith.constant 96 : index
        %parallel_loop3A_351 = tpu.vector_load %arg14[%parallel_loop3A_349, %parallel_loop3A_350] {strides = array<i32>} : memref<50x128xf32, #tpu.memory_space<vmem>>, vector<16xf32>,
        %parallel_loop3A_352 = arith.index_cast %parallel_loop3A_330 : i32 to index
        %parallel_loop3A_353 = arith.constant 112 : index
        %parallel_loop3A_354 = tpu.vector_load %arg14[%parallel_loop3A_352, %parallel_loop3A_353] {strides = array<i32>} : memref<50x128xf32, #tpu.memory_space<vmem>>, vector<16xf32>,
        %parallel_loop3A_355 = arith.mulf %get3A_286, %parallel_loop3A_333 : vector<16xf32>
        %parallel_loop3A_356 = arith.mulf %parallel_loop3A_333, %parallel_loop3A_333 : vector<16xf32>
        %parallel_loop3A_357 = arith.mulf %get3A_289, %parallel_loop3A_336 : vector<16xf32>
        %parallel_loop3A_358 = arith.addf %parallel_loop3A_355, %parallel_loop3A_357 : vector<16xf32>
        %parallel_loop3A_359 = arith.mulf %parallel_loop3A_336, %parallel_loop3A_336 : vector<16xf32>
        %parallel_loop3A_360 = arith.addf %parallel_loop3A_356, %parallel_loop3A_359 : vector<16xf32>
        %parallel_loop3A_361 = arith.mulf %get3A_292, %parallel_loop3A_339 : vector<16xf32>
        %parallel_loop3A_362 = arith.addf %parallel_loop3A_358, %parallel_loop3A_361 : vector<16xf32>
        %parallel_loop3A_363 = arith.mulf %parallel_loop3A_339, %parallel_loop3A_339 : vector<16xf32>
        %parallel_loop3A_364 = arith.addf %parallel_loop3A_360, %parallel_loop3A_363 : vector<16xf32>
        %parallel_loop3A_365 = arith.mulf %get3A_295, %parallel_loop3A_342 : vector<16xf32>
        %parallel_loop3A_366 = arith.addf %parallel_loop3A_362, %parallel_loop3A_365 : vector<16xf32>
        %parallel_loop3A_367 = arith.mulf %parallel_loop3A_342, %parallel_loop3A_342 : vector<16xf32>
        %parallel_loop3A_368 = arith.addf %parallel_loop3A_364, %parallel_loop3A_367 : vector<16xf32>
        %parallel_loop3A_369 = arith.mulf %get3A_298, %parallel_loop3A_345 : vector<16xf32>
        %parallel_loop3A_370 = arith.addf %parallel_loop3A_366, %parallel_loop3A_369 : vector<16xf32>
        %parallel_loop3A_371 = arith.mulf %parallel_loop3A_345, %parallel_loop3A_345 : vector<16xf32>
        %parallel_loop3A_372 = arith.addf %parallel_loop3A_368, %parallel_loop3A_371 : vector<16xf32>
        %parallel_loop3A_373 = arith.mulf %get3A_301, %parallel_loop3A_348 : vector<16xf32>
        %parallel_loop3A_374 = arith.addf %parallel_loop3A_370, %parallel_loop3A_373 : vector<16xf32>
        %parallel_loop3A_375 = arith.mulf %parallel_loop3A_348, %parallel_loop3A_348 : vector<16xf32>
        %parallel_loop3A_376 = arith.addf %parallel_loop3A_372, %parallel_loop3A_375 : vector<16xf32>
        %parallel_loop3A_377 = arith.mulf %get3A_304, %parallel_loop3A_351 : vector<16xf32>
        %parallel_loop3A_378 = arith.addf %parallel_loop3A_374, %parallel_loop3A_377 : vector<16xf32>
        %parallel_loop3A_379 = arith.mulf %parallel_loop3A_351, %parallel_loop3A_351 : vector<16xf32>
        %parallel_loop3A_380 = arith.addf %parallel_loop3A_376, %parallel_loop3A_379 : vector<16xf32>
        %parallel_loop3A_381 = arith.mulf %get3A_307, %parallel_loop3A_354 : vector<16xf32>
        %parallel_loop3A_382 = arith.addf %parallel_loop3A_378, %parallel_loop3A_381 : vector<16xf32>
        %parallel_loop3A_383 = arith.mulf %parallel_loop3A_354, %parallel_loop3A_354 : vector<16xf32>
        %parallel_loop3A_384 = arith.addf %parallel_loop3A_380, %parallel_loop3A_383 : vector<16xf32>
        %parallel_loop3A_385 = arith.constant true
        %parallel_loop3A_386 = vector.broadcast %parallel_loop3A_385 : i1 to vector<16xi1>
        %parallel_loop3A_387 = tpu.scan <sum>, %parallel_loop3A_382 masked %parallel_loop3A_386 : vector<16xf32>, vector<16xi1> -> vector<16xf32>
        %parallel_loop3A_388 = arith.addi %mul3A_283, %parallel_loop3A_328 : i32
        %parallel_loop3A_389 = vector.broadcast %parallel_loop3A_388 : i32 to vector<16xi32>
        tpu.vector_store_idx %arg15[%parallel_loop3A_389], %parallel_loop3A_387 masked %eq3A_12 : memref<6400xf32, #tpu.memory_space<vmem>>[vector<16xi32>], vector<16xf32>, vector<16xi1>
        %parallel_loop3A_390 = arith.constant 0 : index
        %parallel_loop3A_391 = tpu.vector_load %arg17[%parallel_loop3A_390] {strides = array<i32>} : memref<16xf32, #tpu.memory_space<vmem>>, vector<16xf32>,
        tpu.vector_store %arg17[%parallel_loop3A_390], %parallel_loop3A_384 {add = true, strides = array<i32>} : memref<16xf32, #tpu.memory_space<vmem>>, vector<16xf32>,
      } {sc.loop_unroll_factor = 2 : i64, sc.parallel_access}
    }
    %scan3A_40 = arith.constant 32 : i32
    %get3A = arith.constant 0 : index
    %get3A_41 = tpu.vector_load %arg17[%get3A] {strides = array<i32>} : memref<16xf32, #tpu.memory_space<vmem>>, vector<16xf32>,
    %get3A_42 = arith.constant 0 : index
    %get3A_43 = tpu.vector_load %arg18[%get3A_42] {strides = array<i32>} : memref<16xf32, #tpu.memory_space<vmem>>, vector<16xf32>,
    %mul3A_44 = arith.constant 5.000000e+01 : f32
    %mul3A_45 = vector.broadcast %mul3A_44 : f32 to vector<16xf32>
    %mul3A_46 = arith.mulf %mul3A_45, %get3A_43 : vector<16xf32>
    %add3A_47 = arith.addf %get3A_41, %mul3A_46 : vector<16xf32>
    %swap3A_48 = arith.constant 0 : index
    %swap3A_49 = tpu.vector_load %arg16[%swap3A_48] {strides = array<i32>} : memref<16xf32, #tpu.memory_space<vmem>>, vector<16xf32>,
    tpu.vector_store %arg16[%swap3A_48], %add3A_47 {strides = array<i32>} : memref<16xf32, #tpu.memory_space<vmem>>, vector<16xf32>,
    "tpu.region"() ({
      %run_scoped3A = tpu.sem_alloc : memref<!tpu.dma_semaphore, #tpu.memory_space<semaphore_mem>>
      %dma_start3A_52 = arith.constant 0 : i32
      %dma_start3A_53 = tpu.memref_slice %arg7[%add3A, %dma_start3A_52] : memref<32x16xf32, #tpu.memory_space<hbm>> -> memref<1x16xf32, #tpu.memory_space<hbm>>
      %dma_start3A_54 = tpu.memref_squeeze %dma_start3A_53 : memref<1x16xf32, #tpu.memory_space<hbm>> -> memref<16xf32, #tpu.memory_space<hbm>>
      %dma_start3A_55 = arith.constant 0 : i32
      %dma_start3A_56 = tpu.memref_slice %arg7[%add3A, %dma_start3A_55] : memref<32x16xf32, #tpu.memory_space<hbm>> -> memref<1x16xf32, #tpu.memory_space<hbm>>
      %dma_start3A_57 = tpu.memref_squeeze %dma_start3A_56 : memref<1x16xf32, #tpu.memory_space<hbm>> -> memref<16xf32, #tpu.memory_space<hbm>>
      tpu.enqueue_dma source(%arg16 : memref<16xf32, #tpu.memory_space<vmem>>) target(%dma_start3A_57 : memref<16xf32, #tpu.memory_space<hbm>>) target_semaphore(%run_scoped3A : memref<!tpu.dma_semaphore, #tpu.memory_space<semaphore_mem>>)
      %dma_wait3A_58 = arith.constant 0 : i32
      %dma_wait3A_59 = tpu.memref_slice %arg7[%add3A, %dma_wait3A_58] : memref<32x16xf32, #tpu.memory_space<hbm>> -> memref<1x16xf32, #tpu.memory_space<hbm>>
      %dma_wait3A_60 = tpu.memref_squeeze %dma_wait3A_59 : memref<1x16xf32, #tpu.memory_space<hbm>> -> memref<16xf32, #tpu.memory_space<hbm>>
      %dma_wait3A_61 = arith.constant 0 : i32
      %dma_wait3A_62 = tpu.memref_slice %arg7[%add3A, %dma_wait3A_61] : memref<32x16xf32, #tpu.memory_space<hbm>> -> memref<1x16xf32, #tpu.memory_space<hbm>>
      %dma_wait3A_63 = tpu.memref_squeeze %dma_wait3A_62 : memref<1x16xf32, #tpu.memory_space<hbm>> -> memref<16xf32, #tpu.memory_space<hbm>>
      tpu.wait_dma2 semaphore(%run_scoped3A : memref<!tpu.dma_semaphore, #tpu.memory_space<semaphore_mem>>) src(%arg16 : memref<16xf32, #tpu.memory_space<vmem>>) dst(%dma_wait3A_63 : memref<16xf32, #tpu.memory_space<hbm>>)
      tpu.yield
    }) : () -> ()
    %mul3A_50 = arith.constant 50 : i32
    %mul3A_51 = arith.muli %mul3A_2, %mul3A_50 : i32
    "tpu.region"() ({
      %run_scoped3A = tpu.sem_alloc : memref<!tpu.dma_semaphore, #tpu.memory_space<semaphore_mem>>
      %dma_start3A_52 = tpu.memref_slice %arg6[%mul3A_51] : memref<204800xf32, #tpu.memory_space<hbm>> -> memref<6400xf32, #tpu.memory_space<hbm>>
      %dma_start3A_53 = tpu.memref_slice %arg6[%mul3A_51] : memref<204800xf32, #tpu.memory_space<hbm>> -> memref<6400xf32, #tpu.memory_space<hbm>>
      tpu.enqueue_dma source(%arg15 : memref<6400xf32, #tpu.memory_space<vmem>>) target(%dma_start3A_53 : memref<6400xf32, #tpu.memory_space<hbm>>) target_semaphore(%run_scoped3A : memref<!tpu.dma_semaphore, #tpu.memory_space<semaphore_mem>>)
      %dma_wait3A_54 = tpu.memref_slice %arg6[%mul3A_51] : memref<204800xf32, #tpu.memory_space<hbm>> -> memref<6400xf32, #tpu.memory_space<hbm>>
      %dma_wait3A_55 = tpu.memref_slice %arg6[%mul3A_51] : memref<204800xf32, #tpu.memory_space<hbm>> -> memref<6400xf32, #tpu.memory_space<hbm>>
      tpu.wait_dma2 semaphore(%run_scoped3A : memref<!tpu.dma_semaphore, #tpu.memory_space<semaphore_mem>>) src(%arg15 : memref<6400xf32, #tpu.memory_space<vmem>>) dst(%dma_wait3A_55 : memref<6400xf32, #tpu.memory_space<hbm>>)
      tpu.yield
    }) : () -> ()
    return
  }
}

</mosaic_0001>

<sc_bundles>
// kernel: _run.3.cloned.1.call-start
scs
__scs_entry_jumppad:
0x0: {  	(pc) =	sbr.rel $0x88, $3  }
0x1: {  	(tag) =	ssettag $0x0;
	lr =	simm.s32 $0x1  }
0x2: {  	[smem:$0x3F9D] =	sst lr;
	_ =	strace $0xD0000000  }
0x3: {  	_ = 	snop  }
0x4: {  	_ = 	snop  }
0x5: {  	_ = 	snop  }
0x6: {  	_ = 	snop  }
0x7: {  	_ = 	snop  }
__scs_overlays_trampoline_lowered:
0x8: {  	[smem:$0x3FAC] =	sst s0  }
0x9: {  	[smem:$0x3FAD] =	sst s1  }
0xa: {  	[smem:$0x3FAE] =	sst s2  }
0xb: {  	[smem:$0x3FAF] =	sst s3  }
0xc: {  	[smem:$0x3FB0] =	sst s4  }
0xd: {  	[smem:$0x3FB1] =	sst s5  }
0xe: {  	[smem:$0x3FB2] =	sst s6  }
0xf: {  	[smem:$0x3FB3] =	sst s7  }
0x10: {  	[smem:$0x3FB4] =	sst s8  }
0x11: {  	[smem:$0x3FB5] =	sst s9;
	s0 =	simm.s32 @!p0 $0x0  }
0x12: {  	s1 =	sld [smem:$0x3F9B];
	s0 =	simm.s32 @p0 $0x1  }
0x13: {  	[smem:$0x3FB6] =	sst s0;
	s0 =	simm.s32 @!p1 $0x0  }
0x14: {  	s2 =	sld [smem:$0x3F9A];
	s0 =	simm.s32 @p1 $0x1  }
0x15: {  	[smem:$0x3FB7] =	sst s0;
	s0 =	simm.s32 @!p2 $0x0  }
0x16: {  	s3 =	sld [smem:$0x3FDB];
	s0 =	simm.s32 @p2 $0x1  }
0x17: {  	s4 =	simm.s32 $0x1BF5;
	[smem:$0x3FB9] =	sst s0  }
0x18: {  	s0 =	sld [smem:$0x3F9C];
	_ =	swait.ge [sflag:s4], $0x0  }
0x19: {  	s7 =	sld [smem:$0x3F9D]  }
0x1a: {  	s8 =	sadd.s32 $0xFFFFE003, lr  }
0x1b: {  	s9 =	sadd.s32 $0xFFFFFEF7, lr;
	s5 =	simm.s32 $0xFFFFFFFF;
	p2 =	slt.u32 s8, $0xFFFFF086  }
0x1c: {  	p1 =	slt.u32 s9, $0xF7A;
	s5 =	simm.s32 @!p2 $0x0  }
0x1d: {  	s5 =	simm.s32 @p1 $0x1;
	p0 =	seq.s32 s7, s2  }
0x1e: {  	s7 =	smul.u32 @!p0 $0xF7A, s2;
	p2 =	seq.s32 @!p0 s5, $0x0  }
0x1f: {  	s9 =	smul.u32 $0xF7A, s1;
	s8 =	simm.s32 @!p0 $0x1BF5;
	p2 =	por !p2, p0  }
0x20: {  	[sflag:s8] =	ssyncset.s32 @!p0 $0xFFFFF086;
	s6 =	sadd.s32 @!p0 s3, s7;
	s7 =	simm.s32 @!p0 $0x108  }
0x21: {  	s3 =	sadd.s32 s3, s9;
	s6 =	sadd.s32 @!p0 $0x88, s6;
	s7 =	simm.s32 @p2 $0x1082  }
0x22: {  	[simem:s7], [sflag:s8] =	dma.local @!p0 [hbm:s6], $0xF7A  }
0x23: {  	s9 =	sor.u32 $0xD0000000, s2;
	s6 =	simm.s32 $0x108;
	_ =	swait.ge @!p0 [sflag:s8], $0x0  }
0x24: {  	s3 =	sadd.s32 $0x88, s3;
	s6 =	simm.s32 @!p1 $0x1082;
	[sflag:s4] =	ssyncset.s32 $0xFFFFF086  }
0x25: {  	[simem:s6], [sflag:s4] =	dma.local [hbm:s3], $0xF7A  }
0x26: {  	[smem:$0x3F9D] =	sst s1;
	(tag) =	ssettag s2;
	_ =	strace s9  }
0x27: {  	s1 =	sld [smem:$0x3FAD]  }
0x28: {  	s2 =	sld [smem:$0x3FAE]  }
0x29: {  	s4 =	sld [smem:$0x3FB0]  }
0x2a: {  	p0 =	seq.s32 s5, $0x0;
	s5 =	sld [smem:$0x3FB1]  }
0x2b: {  	s6 =	sld [smem:$0x3FB2]  }
0x2c: {  	s7 =	sld [smem:$0x3FB3]  }
0x2d: {  	s3 =	simm.s32 $0x108;
	s8 =	sld [smem:$0x3FB4]  }
0x2e: {  	s3 =	simm.s32 @!p0 $0x1082;
	s9 =	sld [smem:$0x3FB5]  }
0x2f: {  	lr =	sadd.s32 s0, s3;
	s0 =	sld [smem:$0x3FAC]  }
0x30: {  	s3 =	sld [smem:$0x3FAF]  }
0x31: {  	[smem:$0x3FB8] =	sst s10  }
0x32: {  	s10 =	sld [smem:$0x3FB6];
	_ =	sdelay $0x3  }
0x33: {  	p0 =	seq.s32 s10, $0x1;
	s10 =	sld [smem:$0x3FB8];
	_ =	sdelay $0x3  }
0x34: {  	[smem:$0x3FB8] =	sst s10  }
0x35: {  	s10 =	sld [smem:$0x3FB7];
	_ =	sdelay $0x3  }
0x36: {  	p1 =	seq.s32 s10, $0x1;
	s10 =	sld [smem:$0x3FB8];
	_ =	sdelay $0x3  }
0x37: {  	[smem:$0x3FB8] =	sst s10  }
0x38: {  	s10 =	sld [smem:$0x3FB9]  }
0x39: {  	_ = 	snop;
	(pc) =	sbr.ind lr, $3  }
0x3a: {  	_ = 	snop  }
0x3b: {  	_ = 	snop  }
0x3c: {  	p2 =	seq.s32 s10, $0x1;
	s10 =	sld [smem:$0x3FB8]  }
0x3d: {  	_ =	shalt  }
0x3e: {  	_ =	shalt  }
0x3f: {  	_ =	shalt  }
0x40: {  	_ =	shalt  }
0x41: {  	_ =	shalt  }
0x42: {  	_ =	shalt  }
0x43: {  	_ =	shalt  }
0x44: {  	_ =	shalt  }
0x45: {  	_ =	shalt  }
0x46: {  	_ =	shalt  }
0x47: {  	_ =	shalt  }
0x48: {  	_ =	shalt  }
0x49: {  	_ =	shalt  }
0x4a: {  	_ =	shalt  }
0x4b: {  	_ =	shalt  }
0x4c: {  	_ =	shalt  }
0x4d: {  	_ =	shalt  }
0x4e: {  	_ =	shalt  }
0x4f: {  	_ =	shalt  }
0x50: {  	_ =	shalt  }
0x51: {  	_ =	shalt  }
0x52: {  	_ =	shalt  }
0x53: {  	_ =	shalt  }
0x54: {  	_ =	shalt  }
0x55: {  	_ =	shalt  }
0x56: {  	_ =	shalt  }
0x57: {  	_ =	shalt  }
0x58: {  	_ =	shalt  }
0x59: {  	_ =	shalt  }
0x5a: {  	_ =	shalt  }
0x5b: {  	_ =	shalt  }
0x5c: {  	_ =	shalt  }
0x5d: {  	_ =	shalt  }
0x5e: {  	_ =	shalt  }
0x5f: {  	_ =	shalt  }
0x60: {  	_ =	shalt  }
0x61: {  	_ =	shalt  }
0x62: {  	_ =	shalt  }
0x63: {  	_ =	shalt  }
0x64: {  	_ =	shalt  }
0x65: {  	_ =	shalt  }
0x66: {  	_ =	shalt  }
0x67: {  	_ =	shalt  }
0x68: {  	_ =	shalt  }
0x69: {  	_ =	shalt  }
0x6a: {  	_ =	shalt  }
0x6b: {  	_ =	shalt  }
0x6c: {  	_ =	shalt  }
0x6d: {  	_ =	shalt  }
0x6e: {  	_ =	shalt  }
0x6f: {  	_ =	shalt  }
0x70: {  	_ =	shalt  }
0x71: {  	_ =	shalt  }
0x72: {  	_ =	shalt  }
0x73: {  	_ =	shalt  }
0x74: {  	_ =	shalt  }
0x75: {  	_ =	shalt  }
0x76: {  	_ =	shalt  }
0x77: {  	_ =	shalt  }
0x78: {  	_ =	shalt  }
0x79: {  	_ =	shalt  }
0x7a: {  	_ =	shalt  }
0x7b: {  	_ =	shalt  }
0x7c: {  	_ =	shalt  }
0x7d: {  	_ =	shalt  }
0x7e: {  	_ =	shalt  }
0x7f: {  	_ =	shalt  }
0x80: {  	_ =	shalt  }
0x81: {  	_ =	shalt  }
0x82: {  	_ =	shalt  }
0x83: {  	_ =	shalt  }
0x84: {  	_ =	shalt  }
0x85: {  	_ =	shalt  }
0x86: {  	_ =	shalt  }
0x87: {  	_ =	shalt  }
.Lfunc_end0:
.L_simem_size_0:
called_computation_lowered:
.L_overlay_start_0:
0x88: {  	s2 =	sld [smem:$0x3FD9]  }
0x89: {  	s3 =	sld [smem:$0x3FFE];
	_ =	sdelay $0x1  }
0x8a: {  	s1 =	srdreg.scid  }
0x8b: {  	s0 =	sand.u32 $0x1, s1  }
0x8c: {  	s14 =	sshll.u32 s0, $0xA;
	s2 =	sadd.s32 s3, s2  }
0x8d: {  	s2 =	sadd.s32 s2, s14  }
0x8e: {  	[smem:$0x3FC4] =	sst s2  }
0x8f: {  	_ = 	snop  }
0x90: {  	s2 =	sld [smem:$0x3FD0]  }
0x91: {  	s15 =	sld [smem:$0x3FC9]  }
0x92: {  	s4 =	sld [smem:$0x3FC7]  }
0x93: {  	s6 =	simm.s32 $0xA;
	s7 =	simm.s32 $0x10;
	s5 =	sld [smem:$0x3FC6]  }
0x94: {  	[smem:s7], [sflag:s6] =	dma.local [hbm:s2], $0x1  }
0x95: {  	_ =	swait.eq [sflag:s6], $0x1  }
0x96: {  	[sflag:s6] =	ssyncset.done $0x0  }
0x97: {  	[sflag:s6] =	ssyncadd.s32 $0xFFFFFFFF  }
0x98: {  	s16 =	sld [smem:$0x10];
	(tm) =	ssettm $0x1  }
0x99: {  	s17 =	sld [smem:$0x3FFB];
	_ =	sdelay $0x3  }
0x9a: {  	_ =	strace s17  }
0x9b: {  	s6 =	sld [smem:$0x3FFC];
	_ =	sdelay $0x3  }
0x9c: {  	_ =	strace s6  }
0x9d: {  	s6 =	sld [smem:$0x3FFD];
	_ =	sdelay $0x3  }
0x9e: {  	_ =	strace s6  }
0x9f: {  	_ =	strace $0x8FFFFFFF  }
0xa0: {  	s18 =	sld [smem:$0x3FDB];
	_ =	sdelay $0x1  }
0xa1: {  	s19 =	simm.s32 $_scs_section_size  }
0xa2: {  	s8 =	simm.s32 $_size__tile_overlayer_lowered;
	s9 =	simm.s32 $_tile_overlayer_lowered  }
0xa3: {  	s22 =	simm.s32 $0x1BFF;
	s21 =	sshll.u32 s9, $0x1;
	s6 =	sadd.s32 s19, s18  }
0xa4: {  	s10 =	simm.s32 $0x0;
	s20 =	sshll.u32 s8, $0x1;
	s8 =	sadd.s32 s21, s6  }
0xa5: {  	[timem:s10], [sflag:s22] =	dma.local [hbm:s8], s20  }
0xa6: {  	_ =	swait.ge [sflag:s22], s20  }
0xa7: {  	s7 =	ssub.s32 $0x0, s20;
	[sflag:s22] =	ssyncset.done $0x0  }
0xa8: {  	[sflag:s22] =	ssyncadd.s32 s7;
	_ =	sdelay $0x1  }
0xa9: {  	s23 =	simm.s32 $0x1B8B  }
0xaa: {  	_ =	swait.ge [sflag:s23], $0x1  }
0xab: {  	[sflag:s23] =	ssyncset.done $0x0  }
0xac: {  	s25 =	simm.s32 $0x1B8E;
	s24 =	sld [smem:$0x3FFE];
	[sflag:s23] =	ssyncadd.s32 $0xFFFFFFFF  }
0xad: {  	s26 =	simm.s32 $execute0_lowered;
	[smem:$0x3FD2] =	sst s25  }
0xae: {  	s8 =	sshll.u32 s26, $0x1;
	_ =	strace $0x80000046;
	[dreg:$0x1] =	wrdreg $0xFFFFFFFF  }
0xaf: {  	s28 =	simm.s32 $_size_execute0_lowered;
	s6 =	sadd.s32 s6, s8;
	[dreg:$0x0] =	wrdreg $0x0  }
0xb0: {  	s8 =	sshll.u32 s28, $0x1;
	[dreg:$0x2] =	wrdreg s6  }
0xb1: {  	[dreg:$0x3] =	wrdreg s8  }
0xb2: {  	[dreg:$0x4] =	wrdreg $0xC0  }
0xb3: {  	_ =	task [dreg:s10], $0x5FFFF  }
0xb4: {  	[dreg:$0x1] =	wrdreg $0xFFFFFFFF  }
0xb5: {  	[dreg:$0x0] =	wrdreg $0x60  }
0xb6: {  	[dreg:$0x2] =	wrdreg s15  }
0xb7: {  	[dreg:$0x3] =	wrdreg s24  }
0xb8: {  	[dreg:$0x4] =	wrdreg s4  }
0xb9: {  	[dreg:$0x5] =	wrdreg s5  }
0xba: {  	[dreg:$0x6] =	wrdreg s16  }
0xbb: {  	[dreg:$0x7] =	wrdreg $0x9  }
0xbc: {  	_ =	task.clear_ibuf [dreg:s10], $0x8FFFF;
	_ =	strace $0x90000046  }
0xbd: {  	s29 =	simm.s32 $0x9;
	_ =	strace $0x80000048  }
0xbe: {  	_ =	swait.ge [sflag:s29], $0x1  }
0xbf: {  	[sflag:s29] =	ssyncadd.s32 $0xFFFFFFFF  }
0xc0: {  	_ =	strace $0x90000048  }
0xc1: {  	_ =	sfence  }
0xc2: {  	s30 =	sld [smem:$0x0];
	_ =	sdelay $0x2  }
0xc3: {  	s31 =	sshll.u32 s1, $0xD;
	s1 =	sshrl.u32 s1, $0x2  }
0xc4: {  	s3 =	sand.u32 $0x4000, s31;
	s1 =	sadd.s32 s1, s30  }
0xc5: {  	s0 =	sor.u32 s3, s0;
	s1 =	sshll.u32 s1, $0x11  }
0xc6: {  	s0 =	sor.u32 s1, s0  }
0xc7: {  	s0 =	sadd.s32 $0x8F2B, s0  }
0xc8: {  	[sflag:s0] =	ssyncadd.remote.s32 $0x1  }
0xc9: {  	_ =	sfence.sel $0xFFFF  }
0xca: {  	[dreg:$0x0] =	wrdreg $0xFFFFFFFF;
	(pc) =	sbr.abs _section_cstart, $3  }
0xcb: {  	[dreg:$0x1] =	wrdreg $0xFFFFFFFF  }
0xcc: {  	_ =	task.clear_ibuf [dreg:s10], $0x2FFFF;
	_ =	strace $0x9FFFFFFF  }
0xcd: {  	(tm) =	ssettm $0x7FFFFFFF  }
tec
execute0_lowered:
.L_overlay_start_1:
0x0: {  	(tag) =	ssettag $0x1  }
0x1: {  	s0 =	rddreg [dreg:$0x0]  }
0x2: {  	s1 =	rddreg [dreg:$0x1]  }
0x3: {  	s3 =	rddreg [dreg:$0x3];
	s2 =	srdreg.scid  }
0x4: {  	s4 =	stileid.u32;
	s8 =	rddreg [dreg:$0x4]  }
0x5: {  	s11 =	simm.s32 $0x80;
	s13 =	simm.s32 $0x32;
	s19 =	simm.s32 $0x5  }
0x6: {  	s20 =	simm.s32 $0xD480;
	s21 =	simm.s32 $0x1;
	s22 =	simm.s32 $0x10A80  }
0x7: {  	s23 =	simm.s32 $0xF080;
	s24 =	simm.s32 $0x10A00;
	s25 =	simm.s32 $0x2  }
0x8: {  	s26 =	simm.s32 $0x3;
	s28 =	simm.s32 $0x4;
	s29 =	simm.s32 $0x10980  }
0x9: {  	s2 =	sand.u32 $0x1, s2;
	s5 =	sshll.u32 s4, $0x1;
	s4 =	simm.s32 $0x0  }
0xa: {  	s30 =	simm.s32 $0x0;
	s5 =	sor.u32 s2, s5;
	[smem:$0x7FF] =	sst s4  }
0xb: {  	s2 =	ssub.s32 $0x2, s2;
	s6 =	sshll.u32 s5, $0xB;
	_ =	strace $0x80000047  }
0xc: {  	s7 =	sshll.u32 s5, $0x4;
	s9 =	sshrl.u32 s2, $0x1;
	s10 =	smul.u32 $0x320, s5  }
0xd: {  	vm0 =	vcmask $0x3F3C;
	s6 =	sadd.s32 s6, s1;
	s1 =	sadd.s32 s7, s1;
	s2 =	ssub.s32 s2, s9  }
0xe: {  	s5 =	sadd.s32 s0, s7;
	s6 =	sadd.s32 $0x400, s6;
	s7 =	sadd.s32 $0x10400, s1  }
0xf: {  	v0 =	vimm.f32 $0.0e+00;
	s8 =	sadd.s32 s8, s10;
	s9 =	smax.u32 s2, $0x1;
	s10 =	simm.s32 $0x6  }
.LBB2_1:
0x10: {  	[tilespmem:$0x10A00] =	vst v0  }
0x11: {  	[tilespmem:$0x10A80] =	vst v0  }
0x12: {  	[tilespmem:s4], [sflag:$0x6] =	stream.linear.gather [hbm4b:s5+s4], $0x80, $0x38;
	[tilespmem:$0x10B00] =	vst v63  }
0x13: {  	_ =	swait.ge [sflag:s10], $0x80  }
0x14: {  	[sflag:s10] =	ssyncset.done $0x0  }
0x15: {  	[sflag:s10] =	ssyncadd.s32 $0xFFFFFF80  }
0x16: {  	[tilespmem:s11], [sflag:$0x6] =	stream.linear.gather [hbm4b:s6+s4], $0x4000, $0x38;
	[tilespmem:$0x10B00] =	vst v63  }
0x17: {  	_ =	swait.ge [sflag:s10], $0x4000  }
0x18: {  	[sflag:s10] =	ssyncset.done $0x0  }
0x19: {  	[sflag:s10] =	ssyncadd.s32 $0xFFFFC000  }
0x1a: {  	s1 =	simm.s32 $0x4080;
	s0 =	rddreg [dreg:$0x2]  }
0x1b: {  	[tilespmem:s1], [sflag:$0x5] =	stream.indirect.gather [hbm4b:s0+s11], $0x80, s4, s11, $0xb8;
	[tilespmem:$0x10B00] =	vst v63  }
0x1c: {  	s14 =	simm.s32 $0x8080  }
0x1d: {  	[tilespmem:s14], [sflag:$0x1] =	stream.indirect.gather [hbm4b:s3+s13], $0x80, s11, s13, $0xb8;
	[tilespmem:$0x10B00] =	vst v63  }
0x1e: {  	s15 =	simm.s32 $0x100;
	s16 =	simm.s32 $0x9C80  }
0x1f: {  	[tilespmem:s16], [sflag:$0x2] =	stream.indirect.gather [hbm4b:s3+s13], $0x80, s15, s13, $0xb8;
	[tilespmem:$0x10B00] =	vst v63  }
0x20: {  	s17 =	simm.s32 $0x180;
	s18 =	simm.s32 $0xB880  }
0x21: {  	[tilespmem:s18], [sflag:$0x3] =	stream.indirect.gather [hbm4b:s3+s13], $0x80, s17, s13, $0xb8;
	[tilespmem:$0x10B00] =	vst v63  }
0x22: {  	_ =	swait.ge [sflag:s19], $0x4000  }
0x23: {  	[sflag:s19] =	ssyncset.done $0x0  }
0x24: {  	s31 =	simm.s32 $0x0;
	s2 =	simm.s32 $0x0;
	[sflag:s19] =	ssyncadd.s32 $0xFFFFC000  }
.LBB2_2:
0x25: {  	s1 =	sshll.u32 s2, $0xB  }
0x26: {  	s0 =	sor.u32 $0x600, s1  }
0x27: {  	s12 =	sshrl.u32 s0, $0x2  }
0x28: {  	s12 =	sadd.s32 $0x80, s12  }
0x29: {  	[tilespmem:s20], [sflag:$0x4] =	stream.indirect.gather [hbm4b:s3+s13], $0x80, s12, s13, $0xb8;
	[tilespmem:$0x10B00] =	vst v63  }
0x2a: {  	_ =	swait.ge [sflag:s21], $0x1900  }
0x2b: {  	[sflag:s21] =	ssyncset.done $0x0  }
0x2c: {  	s16 =	sshrl.u32 s1, $0x2;
	[sflag:s21] =	ssyncadd.s32 $0xFFFFE700  }
0x2d: {  	v1 =	vld [tilespmem:s16+$0x4080]  }
0x2e: {  	v2 =	vld [tilespmem:s16+$0x4090]  }
0x2f: {  	v3 =	vld [tilespmem:s16+$0x40A0]  }
0x30: {  	v4 =	vld [tilespmem:s16+$0x40B0]  }
0x31: {  	v5 =	vld [tilespmem:s16+$0x40C0]  }
0x32: {  	v6 =	vld [tilespmem:s16+$0x40D0]  }
0x33: {  	v7 =	vld [tilespmem:s16+$0x40E0]  }
0x34: {  	v8 =	vld [tilespmem:s16+$0x40F0];
	_ =	sdelay $0x1  }
0x35: {  	v9 =	vmul.f32 v1, v1;
	v10 =	vmul.f32 v2, v2  }
0x36: {  	v11 =	vmul.f32 v3, v3;
	v12 =	vmul.f32 v4, v4  }
0x37: {  	v13 =	vmul.f32 v5, v5;
	v14 =	vmul.f32 v6, v6  }
0x38: {  	v15 =	vmul.f32 v7, v7;
	v16 =	vmul.f32 v8, v8  }
0x39: {  	v9 =	vadd.f32 v10, v9;
	v10 =	vadd.f32 v12, v11  }
0x3a: {  	v11 =	vadd.f32 v14, v13;
	v12 =	vadd.f32 v16, v15;
	_ =	sdelay $0x1  }
0x3b: {  	v9 =	vadd.f32 v10, v9;
	v10 =	vadd.f32 v12, v11;
	_ =	sdelay $0x1  }
0x3c: {  	v9 =	vadd.f32 v10, v9;
	_ =	sdelay $0x1  }
0x3d: {  	s17 =	simm.s32 $0x8100;
	[tilespmem:s22+$0x0] =	vst.add.f32.msk $0xffff, v9  }
0x3e: {  	v9 =	vld [tilespmem:s17+$0x0]  }
0x3f: {  	v10 =	vld [tilespmem:s17+$0x10]  }
0x40: {  	v11 =	vld [tilespmem:s17+$0xFFFFFF90]  }
0x41: {  	v13 =	vld [tilespmem:s17+$0xFFFFFF80]  }
0x42: {  	v12 =	vld [tilespmem:s17+$0x20]  }
0x43: {  	v15 =	vld [tilespmem:s17+$0xFFFFFFA0]  }
0x44: {  	v14 =	vld [tilespmem:s17+$0x30];
	v16 =	vmul.f32 v9, v1  }
0x45: {  	v18 =	vld [tilespmem:s17+$0x40];
	v17 =	vmul.f32 v10, v2;
	v20 =	vmul.f32 v11, v2  }
0x46: {  	v19 =	vld [tilespmem:s17+$0xFFFFFFB0];
	v21 =	vmul.f32 v13, v1;
	v13 =	vmul.f32 v13, v13  }
0x47: {  	v26 =	vld [tilespmem:s17+$0xFFFFFFD0];
	v11 =	vmul.f32 v11, v11;
	v16 =	vadd.f32 v17, v16;
	v17 =	vmul.f32 v12, v3  }
0x48: {  	v22 =	vld [tilespmem:s17+$0x50];
	v9 =	vmul.f32 v9, v9;
	v20 =	vadd.f32 v20, v21;
	v21 =	vmul.f32 v15, v3  }
0x49: {  	v10 =	vmul.f32 v10, v10;
	v16 =	vadd.f32 v17, v16;
	v17 =	vmul.f32 v14, v4  }
0x4a: {  	v23 =	vld [tilespmem:s17+$0x60];
	v15 =	vmul.f32 v15, v15;
	v11 =	vadd.f32 v11, v13;
	v20 =	vadd.f32 v21, v20  }
0x4b: {  	v24 =	vld [tilespmem:s17+$0x70];
	v21 =	vmul.f32 v19, v4;
	v16 =	vadd.f32 v17, v16;
	v17 =	vmul.f32 v18, v5  }
0x4c: {  	v25 =	vld [tilespmem:s17+$0xFFFFFFC0];
	v9 =	vadd.f32 v10, v9;
	v10 =	vmul.f32 v12, v12;
	v12 =	vmul.f32 v26, v6  }
0x4d: {  	v13 =	vadd.f32 v21, v20;
	v20 =	vld [tilespmem:s17+$0xFFFFFFE0];
	v16 =	vadd.f32 v17, v16;
	v17 =	vmul.f32 v22, v6  }
0x4e: {  	v19 =	vmul.f32 v19, v19;
	v9 =	vadd.f32 v10, v9;
	v10 =	vmul.f32 v14, v14  }
0x4f: {  	v11 =	vadd.f32 v15, v11;
	v21 =	vld [tilespmem:s17+$0xFFFFFFF0];
	v16 =	vadd.f32 v17, v16;
	v17 =	vmul.f32 v23, v7  }
0x50: {  	v15 =	vmul.f32 v24, v8;
	v9 =	vadd.f32 v10, v9;
	v10 =	vmul.f32 v18, v18  }
0x51: {  	s18 =	simm.s32 $0x8200;
	v11 =	vadd.f32 v19, v11;
	v16 =	vadd.f32 v17, v16;
	v17 =	vmul.f32 v25, v5  }
0x52: {  	v27 =	vld [tilespmem:s18+$0x0];
	v9 =	vadd.f32 v10, v9;
	v10 =	vmul.f32 v22, v22;
	v14 =	vmul.f32 v20, v7  }
0x53: {  	v15 =	vadd.f32 v15, v16;
	v13 =	vadd.f32 v17, v13;
	v16 =	vmul.f32 v25, v25;
	v25 =	vld [tilespmem:s18+$0x10]  }
0x54: {  	v18 =	vmul.f32 v20, v20;
	v19 =	vmul.f32 v21, v21;
	v17 =	vld [tilespmem:s18+$0xFFFFFF90]  }
0x55: {  	v20 =	vld [tilespmem:s18+$0x20];
	v12 =	vadd.f32 v12, v13;
	v13 =	vmul.f32 v26, v26;
	v11 =	vadd.f32 v16, v11  }
0x56: {  	s14 =	sadd.s32 $0xFFFFFFFE, s31;
	v9 =	vadd.f32 v10, v9;
	v16 =	vmul.f32 v21, v8;
	v21 =	vmul.f32 v23, v23;
	(xrf2) =	vadd.scan.msk.f32 $0xffff, v15;
	v15 =	vld [tilespmem:s18+$0xFFFFFFA0]  }
0x57: {  	s15 =	sadd.s32 $0x3, s14;
	s14 =	sadd.s32 $0x2, s14;
	v23 =	vmul.f32 v27, v1;
	v12 =	vadd.f32 v14, v12;
	v13 =	vadd.f32 v13, v11;
	v11 =	vld [tilespmem:s18+$0x30]  }
0x58: {  	v30 =	vmov s14;
	v27 =	vmul.f32 v27, v27;
	v14 =	vld [tilespmem:s18+$0xFFFFFF80];
	v26 =	vmul.f32 v25, v2  }
0x59: {  	v9 =	vadd.f32 v21, v9;
	v10 =	vmul.f32 v17, v2;
	v16 =	vadd.f32 v16, v12;
	v12 =	vld [tilespmem:s18+$0x40]  }
0x5a: {  	v17 =	vmul.f32 v17, v17;
	v23 =	vadd.f32 v26, v23;
	v26 =	vmul.f32 v20, v3  }
0x5b: {  	v25 =	vmul.f32 v25, v25;
	v28 =	vadd.f32 v18, v13;
	v18 =	vmul.f32 v24, v24;
	v13 =	vld [tilespmem:s18+$0x50]  }
0x5c: {  	v24 =	vld [tilespmem:s18+$0xFFFFFFB0];
	v32 =	vmul.f32 v15, v15;
	v23 =	vadd.f32 v26, v23;
	v26 =	vmul.f32 v11, v4  }
0x5d: {  	v22 =	vmov s15;
	(xrf2) =	vadd.scan.msk.f32 $0xffff, v16;
	v21 =	vmul.f32 v14, v1;
	v29 =	vmul.f32 v14, v14;
	v14 =	vld [tilespmem:s18+$0x60]  }
0x5e: {  	v31 =	vadd.f32 v18, v9;
	v18 =	vld [tilespmem:s18+$0xFFFFFFC0];
	v23 =	vadd.f32 v26, v23;
	v26 =	vmul.f32 v12, v5  }
0x5f: {  	v25 =	vadd.f32 v25, v27;
	v16 =	vmul.f32 v15, v3;
	v9 =	vadd.f32 v10, v21;
	v10 =	vld [tilespmem:s18+$0x70]  }
0x60: {  	v15 =	vld [tilespmem:s18+$0xFFFFFFF0];
	v21 =	vand.u32 $0xFFFFFFFE, v30;
	v23 =	vadd.f32 v26, v23;
	v26 =	vmul.f32 v13, v6  }
0x61: {  	v30 =	vmul.f32 v24, v4;
	v29 =	vadd.f32 v17, v29;
	v17 =	vld [tilespmem:s18+$0xFFFFFFE0];
	v9 =	vadd.f32 v16, v9  }
0x62: {  	v24 =	vmul.f32 v24, v24;
	v33, _, _ =	vpop (xrf2);
	v16 =	vld [tilespmem:s18+$0xFFFFFFD0];
	v23 =	vadd.f32 v26, v23;
	v26 =	vmul.f32 v14, v7  }
0x63: {  	[tilespmem:v22+s23+$0x0] =	vst.idx.msk vm0, v33;
	v22 =	vadd.f32 v32, v29;
	v30 =	vadd.f32 v30, v9  }
0x64: {  	v9 =	vadd.f32 v19, v28;
	v28 =	vmul.f32 v10, v8;
	v26 =	vadd.f32 v26, v23  }
0x65: {  	v19 =	vbroadcast v21, $0x0;
	v21 =	vadd.f32 v24, v22;
	v22 =	vmul.f32 v18, v5  }
0x66: {  	s14 =	simm.s32 $0x0;
	v27 =	vmul.f32 v20, v20;
	v24 =	vmul.f32 v17, v7;
	v26 =	vadd.f32 v28, v26  }
0x67: {  	s12 =	sshll.u32 s2, $0x2;
	s16 =	simm.s32 $0x8300;
	s15 =	simm.s32 $0x2;
	[tilespmem:s24+$0x0] =	vst.add.f32.msk $0xffff, v31;
	v23 =	vmul.f32 v16, v6;
	v20, _, _ =	vpop (xrf2);
	v28 =	vadd.f32 v22, v30;
	v22 =	vmul.f32 v15, v8  }
.LBB2_3:
0x68: {  	v29 =	vld [tilespmem:s16+$0x0];
	v18 =	vmul.f32 v18, v18;
	v25 =	vadd.f32 v27, v25;
	v11 =	vmul.f32 v11, v11;
	(xrf2) =	vadd.scan.msk.f32 $0xffff, v26;
	s17 =	smov.u32 s15  }
0x69: {  	v16 =	vmul.f32 v16, v16;
	v17 =	vmul.f32 v17, v17;
	v26 =	vld [tilespmem:s16+$0x10];
	v23 =	vadd.f32 v23, v28  }
0x6a: {  	s15 =	sadd.s32 $0x2, s15;
	v12 =	vmul.f32 v12, v12;
	v27 =	vld [tilespmem:s16+$0xFFFFFF90];
	v18 =	vadd.f32 v18, v21;
	v11 =	vadd.f32 v11, v25  }
0x6b: {  	v15 =	vmul.f32 v15, v15;
	s18 =	sadd.s32 s14, s31;
	p0 =	slt.u32 s15, $0x30;
	s14 =	smov.u32 s17;
	v28 =	vld [tilespmem:s16+$0x20];
	v21 =	vadd.f32 v24, v23;
	[tilespmem:v19+s23+$0x0] =	vst.idx.msk vm0, v20  }
0x6c: {  	v13 =	vmul.f32 v13, v13;
	s17 =	sadd.s32 $0x2, s18;
	s18 =	sadd.s32 $0x3, s18;
	v19 =	vld [tilespmem:s16+$0xFFFFFF80];
	v16 =	vadd.f32 v16, v18;
	v12 =	vadd.f32 v12, v11  }
0x6d: {  	v14 =	vmul.f32 v14, v14;
	v20 =	vmov s18;
	v11 =	vld [tilespmem:s16+$0x30];
	v18 =	vadd.f32 v22, v21  }
0x6e: {  	v22 =	vmul.f32 v29, v1;
	v21 =	vld [tilespmem:s16+$0xFFFFFFA0];
	v23 =	vmul.f32 v26, v2;
	v13 =	vadd.f32 v13, v12  }
0x6f: {  	v25 =	vadd.f32 v17, v16;
	v16 =	vmul.f32 v10, v10;
	v24 =	vmul.f32 v27, v2;
	v12 =	vld [tilespmem:s16+$0x40];
	(xrf2) =	vadd.scan.msk.f32 $0xffff, v18  }
0x70: {  	v30 =	vld [tilespmem:s16+$0xFFFFFFB0];
	v17 =	vadd.f32 v23, v22;
	v18 =	vmul.f32 v28, v3;
	v14 =	vadd.f32 v14, v13  }
0x71: {  	v23 =	vmov s17;
	v22 =	vmul.f32 v19, v1;
	v19 =	vmul.f32 v19, v19;
	v13 =	vld [tilespmem:s16+$0x50]  }
0x72: {  	v10 =	vld [tilespmem:s16+$0x70];
	v17 =	vadd.f32 v18, v17;
	v18 =	vmul.f32 v11, v4;
	v16 =	vadd.f32 v16, v14;
	v31, _, _ =	vpop (xrf2)  }
0x73: {  	v23 =	vand.u32 $0xFFFFFFFE, v23;
	v22 =	vadd.f32 v24, v22;
	v24 =	vmul.f32 v21, v3;
	v14 =	vld [tilespmem:s16+$0x60];
	[tilespmem:v20+s23+$0x0] =	vst.idx.msk vm0, v31  }
0x74: {  	v20 =	vmul.f32 v27, v27;
	v17 =	vadd.f32 v18, v17;
	v27 =	vmul.f32 v12, v5;
	[tilespmem:s24+$0x0] =	vst.add.f32.msk $0xffff, v16  }
0x75: {  	v21 =	vmul.f32 v21, v21;
	v18 =	vld [tilespmem:s16+$0xFFFFFFC0];
	v22 =	vadd.f32 v24, v22;
	v24 =	vmul.f32 v30, v4  }
0x76: {  	v19 =	vadd.f32 v20, v19;
	v16 =	vld [tilespmem:s16+$0xFFFFFFD0];
	v32 =	vadd.f32 v27, v17;
	v27 =	vmul.f32 v13, v6  }
0x77: {  	v25 =	vadd.f32 v15, v25;
	v17 =	vld [tilespmem:s16+$0xFFFFFFE0];
	v22 =	vadd.f32 v24, v22;
	v24 =	vmul.f32 v30, v30  }
0x78: {  	v21 =	vadd.f32 v21, v19;
	v15 =	vld [tilespmem:s16+$0xFFFFFFF0];
	v27 =	vadd.f32 v27, v32;
	v30 =	vmul.f32 v14, v7  }
.Ltmp0:
0x79: {  	v31 =	vmul.f32 v10, v8;
	v19 =	vbroadcast v23, $0x0;
	v20, _, _ =	vpop (xrf2);
	[tilespmem:s24+$0x0] =	vst.add.f32.msk $0xffff, v9;
	v9 =	vmov v25;
	(pc) =	sbr.rel @p0 .LBB2_3-.Ltmp0, $4  }
0x7a: {  	v26 =	vmul.f32 v26, v26;
	v25 =	vmul.f32 v29, v29;
	v29 =	vadd.f32 v30, v27  }
0x7b: {  	v21 =	vadd.f32 v24, v21;
	v24 =	vmul.f32 v18, v5;
	v23 =	vmul.f32 v16, v6  }
0x7c: {  	v27 =	vmul.f32 v28, v28;
	v25 =	vadd.f32 v26, v25;
	v26 =	vadd.f32 v31, v29  }
0x7d: {  	s16 =	sadd.s32 $0x100, s16;
	v28 =	vadd.f32 v24, v22;
	v24 =	vmul.f32 v17, v7;
	v22 =	vmul.f32 v15, v8  }
0x7e: {  	_ = 	snop  }
0x7f: {  	v1 =	vadd.f32 v23, v28;
	_ =	sdelay $0x1  }
0x80: {  	v2 =	vadd.f32 v27, v25;
	v3 =	vmul.f32 v11, v11;
	v1 =	vadd.f32 v24, v1;
	_ =	sdelay $0x1  }
0x81: {  	(xrf2) =	vadd.scan.msk.f32 $0xffff, v26;
	v2 =	vadd.f32 v3, v2;
	v3 =	vmul.f32 v12, v12;
	v1 =	vadd.f32 v22, v1;
	_ =	sdelay $0x1  }
0x82: {  	s14 =	sadd.s32 s14, s31;
	(xrf2) =	vadd.scan.msk.f32 $0xffff, v1;
	v1 =	vadd.f32 v3, v2;
	v2 =	vmul.f32 v13, v13;
	v3 =	vmul.f32 v18, v18  }
0x83: {  	v4 =	vmul.f32 v14, v14;
	v6 =	vmul.f32 v16, v16;
	s15 =	sadd.s32 $0x2, s14  }
0x84: {  	s14 =	sadd.s32 $0x3, s14;
	v1 =	vadd.f32 v2, v1;
	v2 =	vmov s15;
	v3 =	vadd.f32 v3, v21  }
0x85: {  	v5 =	vmov s14;
	v2 =	vand.u32 $0xFFFFFFFE, v2  }
0x86: {  	v1 =	vadd.f32 v4, v1;
	v4 =	vmul.f32 v17, v17;
	v3 =	vadd.f32 v6, v3  }
0x87: {  	v2 =	vbroadcast v2, $0x0  }
0x88: {  	v7 =	vmul.f32 v10, v10;
	v3 =	vadd.f32 v4, v3  }
0x89: {  	[tilespmem:v19+s23+$0x0] =	vst.idx.msk vm0, v20  }
0x8a: {  	[tilespmem:s24+$0x0] =	vst.add.f32.msk $0xffff, v9;
	v6, _, _ =	vpop (xrf2);
	v1 =	vadd.f32 v7, v1;
	v7 =	vmul.f32 v15, v15  }
0x8b: {  	[tilespmem:v5+s23+$0x0] =	vst.idx.msk vm0, v6  }
0x8c: {  	p0 =	seq.s32 s2, $0x1F;
	[tilespmem:s24+$0x0] =	vst.add.f32.msk $0xffff, v1;
	v1 =	vadd.f32 v7, v3;
	v3, _, _ =	vpop (xrf2)  }
0x8d: {  	s1 =	sshra.s32 @!p0 s1, $0x2;
	[tilespmem:v2+s23+$0x0] =	vst.idx.msk vm0, v3  }
0x8e: {  	s16 =	simm.s32 @!p0 $0x8080;
	s14 =	sadd.s32 @!p0 $0x280, s1;
	s15 =	simm.s32 @!p0 $0x32;
	[tilespmem:s24+$0x0] =	vst.add.f32.msk $0xffff, v1  }
0x8f: {  	[tilespmem:s16], [sflag:$0x1] =	stream.indirect.gather @!p0 [hbm4b:s3+s15], $0x80, s14, s15, $0xb8;
	[tilespmem:$0x10B00] =	vst v63  }
0x90: {  	s15 =	sor.u32 $0x1, s12;
	_ =	swait.ge [sflag:s25], $0x1900  }
0x91: {  	s14 =	sshll.u32 s15, $0x7;
	[sflag:s25] =	ssyncset.done $0x0  }
0x92: {  	s14 =	sand.u32 $0x3FFFFF80, s14;
	[sflag:s25] =	ssyncadd.s32 $0xFFFFE700  }
0x93: {  	v1 =	vld [tilespmem:s14+$0x4080]  }
0x94: {  	v2 =	vld [tilespmem:s14+$0x4090]  }
0x95: {  	v3 =	vld [tilespmem:s14+$0x40A0]  }
0x96: {  	v4 =	vld [tilespmem:s14+$0x40B0]  }
0x97: {  	v5 =	vld [tilespmem:s14+$0x40C0]  }
0x98: {  	v6 =	vld [tilespmem:s14+$0x40D0]  }
0x99: {  	v7 =	vld [tilespmem:s14+$0x40E0]  }
0x9a: {  	v8 =	vld [tilespmem:s14+$0x40F0];
	_ =	sdelay $0x1  }
0x9b: {  	v9 =	vmul.f32 v1, v1;
	v10 =	vmul.f32 v2, v2  }
0x9c: {  	v11 =	vmul.f32 v3, v3;
	v12 =	vmul.f32 v4, v4  }
0x9d: {  	v13 =	vmul.f32 v5, v5;
	v14 =	vmul.f32 v6, v6  }
0x9e: {  	v15 =	vmul.f32 v7, v7;
	v16 =	vmul.f32 v8, v8  }
0x9f: {  	v9 =	vadd.f32 v10, v9;
	v10 =	vadd.f32 v12, v11  }
0xa0: {  	v11 =	vadd.f32 v14, v13;
	v12 =	vadd.f32 v16, v15;
	_ =	sdelay $0x1  }
0xa1: {  	v9 =	vadd.f32 v10, v9;
	v10 =	vadd.f32 v12, v11;
	_ =	sdelay $0x1  }
0xa2: {  	v9 =	vadd.f32 v10, v9;
	_ =	sdelay $0x1  }
0xa3: {  	s16 =	simm.s32 $0x9D00;
	[tilespmem:s22+$0x0] =	vst.add.f32.msk $0xffff, v9  }
0xa4: {  	v9 =	vld [tilespmem:s16+$0x0]  }
0xa5: {  	v10 =	vld [tilespmem:s16+$0x10]  }
0xa6: {  	v11 =	vld [tilespmem:s16+$0xFFFFFF90]  }
0xa7: {  	v13 =	vld [tilespmem:s16+$0xFFFFFF80]  }
0xa8: {  	v12 =	vld [tilespmem:s16+$0x20]  }
0xa9: {  	v15 =	vld [tilespmem:s16+$0xFFFFFFA0]  }
0xaa: {  	v14 =	vld [tilespmem:s16+$0x30];
	v16 =	vmul.f32 v9, v1  }
0xab: {  	v18 =	vld [tilespmem:s16+$0x40];
	v17 =	vmul.f32 v10, v2;
	v20 =	vmul.f32 v11, v2  }
0xac: {  	v19 =	vld [tilespmem:s16+$0xFFFFFFB0];
	v21 =	vmul.f32 v13, v1;
	v13 =	vmul.f32 v13, v13  }
0xad: {  	v26 =	vld [tilespmem:s16+$0xFFFFFFD0];
	v11 =	vmul.f32 v11, v11;
	v16 =	vadd.f32 v17, v16;
	v17 =	vmul.f32 v12, v3  }
0xae: {  	v22 =	vld [tilespmem:s16+$0x50];
	v9 =	vmul.f32 v9, v9;
	v20 =	vadd.f32 v20, v21;
	v21 =	vmul.f32 v15, v3  }
0xaf: {  	v10 =	vmul.f32 v10, v10;
	v16 =	vadd.f32 v17, v16;
	v17 =	vmul.f32 v14, v4  }
0xb0: {  	v23 =	vld [tilespmem:s16+$0x60];
	v15 =	vmul.f32 v15, v15;
	v11 =	vadd.f32 v11, v13;
	v20 =	vadd.f32 v21, v20  }
0xb1: {  	v24 =	vld [tilespmem:s16+$0x70];
	v21 =	vmul.f32 v19, v4;
	v16 =	vadd.f32 v17, v16;
	v17 =	vmul.f32 v18, v5  }
0xb2: {  	v25 =	vld [tilespmem:s16+$0xFFFFFFC0];
	v9 =	vadd.f32 v10, v9;
	v10 =	vmul.f32 v12, v12;
	v12 =	vmul.f32 v26, v6  }
0xb3: {  	v13 =	vadd.f32 v21, v20;
	v20 =	vld [tilespmem:s16+$0xFFFFFFE0];
	v16 =	vadd.f32 v17, v16;
	v17 =	vmul.f32 v22, v6  }
0xb4: {  	v19 =	vmul.f32 v19, v19;
	v9 =	vadd.f32 v10, v9;
	v10 =	vmul.f32 v14, v14  }
0xb5: {  	v11 =	vadd.f32 v15, v11;
	v21 =	vld [tilespmem:s16+$0xFFFFFFF0];
	v16 =	vadd.f32 v17, v16;
	v17 =	vmul.f32 v23, v7  }
0xb6: {  	v15 =	vmul.f32 v24, v8;
	v9 =	vadd.f32 v10, v9;
	v10 =	vmul.f32 v18, v18  }
0xb7: {  	s14 =	simm.s32 $0x9E00;
	v11 =	vadd.f32 v19, v11;
	v16 =	vadd.f32 v17, v16;
	v17 =	vmul.f32 v25, v5  }
0xb8: {  	v27 =	vld [tilespmem:s14+$0x0];
	v9 =	vadd.f32 v10, v9;
	v10 =	vmul.f32 v22, v22;
	v14 =	vmul.f32 v20, v7  }
0xb9: {  	v15 =	vadd.f32 v15, v16;
	v13 =	vadd.f32 v17, v13;
	v16 =	vmul.f32 v25, v25;
	v25 =	vld [tilespmem:s14+$0x10]  }
0xba: {  	v18 =	vmul.f32 v20, v20;
	v19 =	vmul.f32 v21, v21;
	v17 =	vld [tilespmem:s14+$0xFFFFFF90]  }
0xbb: {  	v20 =	vld [tilespmem:s14+$0x20];
	v12 =	vadd.f32 v12, v13;
	v13 =	vmul.f32 v26, v26;
	v11 =	vadd.f32 v16, v11  }
0xbc: {  	s17 =	sadd.s32 $0xFFFFFFFE, s31;
	v9 =	vadd.f32 v10, v9;
	v16 =	vmul.f32 v21, v8;
	v21 =	vmul.f32 v23, v23;
	(xrf2) =	vadd.scan.msk.f32 $0xffff, v15;
	v15 =	vld [tilespmem:s14+$0xFFFFFFA0]  }
0xbd: {  	s15 =	sadd.s32 $0x34, s17;
	v23 =	vmul.f32 v27, v1;
	v12 =	vadd.f32 v14, v12;
	v13 =	vadd.f32 v13, v11;
	v11 =	vld [tilespmem:s14+$0x30]  }
0xbe: {  	v30 =	vmov s15;
	v27 =	vmul.f32 v27, v27;
	v14 =	vld [tilespmem:s14+$0xFFFFFF80];
	v26 =	vmul.f32 v25, v2  }
0xbf: {  	v9 =	vadd.f32 v21, v9;
	v10 =	vmul.f32 v17, v2;
	v16 =	vadd.f32 v16, v12;
	v12 =	vld [tilespmem:s14+$0x40]  }
0xc0: {  	v17 =	vmul.f32 v17, v17;
	v23 =	vadd.f32 v26, v23;
	v26 =	vmul.f32 v20, v3  }
0xc1: {  	v25 =	vmul.f32 v25, v25;
	v28 =	vadd.f32 v18, v13;
	v18 =	vmul.f32 v24, v24;
	v13 =	vld [tilespmem:s14+$0x50]  }
0xc2: {  	s18 =	sadd.s32 $0x35, s17;
	v24 =	vld [tilespmem:s14+$0xFFFFFFB0];
	v32 =	vmul.f32 v15, v15;
	v23 =	vadd.f32 v26, v23;
	v26 =	vmul.f32 v11, v4  }
0xc3: {  	v22 =	vmov s18;
	(xrf2) =	vadd.scan.msk.f32 $0xffff, v16;
	v21 =	vmul.f32 v14, v1;
	v29 =	vmul.f32 v14, v14;
	v14 =	vld [tilespmem:s14+$0x60]  }
0xc4: {  	v31 =	vadd.f32 v18, v9;
	v18 =	vld [tilespmem:s14+$0xFFFFFFC0];
	v23 =	vadd.f32 v26, v23;
	v26 =	vmul.f32 v12, v5  }
0xc5: {  	v25 =	vadd.f32 v25, v27;
	v16 =	vmul.f32 v15, v3;
	v9 =	vadd.f32 v10, v21;
	v10 =	vld [tilespmem:s14+$0x70]  }
0xc6: {  	v15 =	vld [tilespmem:s14+$0xFFFFFFF0];
	v21 =	vand.u32 $0xFFFFFFFE, v30;
	v23 =	vadd.f32 v26, v23;
	v26 =	vmul.f32 v13, v6  }
0xc7: {  	v30 =	vmul.f32 v24, v4;
	v29 =	vadd.f32 v17, v29;
	v17 =	vld [tilespmem:s14+$0xFFFFFFE0];
	v9 =	vadd.f32 v16, v9  }
0xc8: {  	v24 =	vmul.f32 v24, v24;
	v33, _, _ =	vpop (xrf2);
	v16 =	vld [tilespmem:s14+$0xFFFFFFD0];
	v23 =	vadd.f32 v26, v23;
	v26 =	vmul.f32 v14, v7  }
0xc9: {  	[tilespmem:v22+s23+$0x0] =	vst.idx.msk vm0, v33;
	v22 =	vadd.f32 v32, v29;
	v30 =	vadd.f32 v30, v9  }
0xca: {  	v9 =	vadd.f32 v19, v28;
	v28 =	vmul.f32 v10, v8;
	v26 =	vadd.f32 v26, v23  }
0xcb: {  	v19 =	vbroadcast v21, $0x0;
	v21 =	vadd.f32 v24, v22;
	v22 =	vmul.f32 v18, v5  }
0xcc: {  	v27 =	vmul.f32 v20, v20;
	v24 =	vmul.f32 v17, v7;
	v26 =	vadd.f32 v28, v26  }
0xcd: {  	s15 =	simm.s32 $0x2;
	s16 =	simm.s32 $0x9F00;
	s14 =	simm.s32 $0x0;
	[tilespmem:s24+$0x0] =	vst.add.f32.msk $0xffff, v31;
	v23 =	vmul.f32 v16, v6;
	v20, _, _ =	vpop (xrf2);
	v28 =	vadd.f32 v22, v30;
	v22 =	vmul.f32 v15, v8  }
.LBB2_5:
0xce: {  	v29 =	vld [tilespmem:s16+$0x0];
	v18 =	vmul.f32 v18, v18;
	v25 =	vadd.f32 v27, v25;
	v11 =	vmul.f32 v11, v11;
	(xrf2) =	vadd.scan.msk.f32 $0xffff, v26;
	s17 =	smov.u32 s15  }
0xcf: {  	v16 =	vmul.f32 v16, v16;
	v17 =	vmul.f32 v17, v17;
	v26 =	vld [tilespmem:s16+$0x10];
	v23 =	vadd.f32 v23, v28  }
0xd0: {  	s15 =	sadd.s32 $0x2, s15;
	v12 =	vmul.f32 v12, v12;
	v27 =	vld [tilespmem:s16+$0xFFFFFF90];
	v18 =	vadd.f32 v18, v21;
	v11 =	vadd.f32 v11, v25  }
0xd1: {  	v15 =	vmul.f32 v15, v15;
	s18 =	sadd.s32 s14, s31;
	p1 =	slt.u32 s15, $0x30;
	s14 =	smov.u32 s17;
	v28 =	vld [tilespmem:s16+$0x20];
	v21 =	vadd.f32 v24, v23;
	[tilespmem:v19+s23+$0x0] =	vst.idx.msk vm0, v20  }
0xd2: {  	v13 =	vmul.f32 v13, v13;
	s17 =	sadd.s32 $0x34, s18;
	s18 =	sadd.s32 $0x35, s18;
	v19 =	vld [tilespmem:s16+$0xFFFFFF80];
	v16 =	vadd.f32 v16, v18;
	v12 =	vadd.f32 v12, v11  }
0xd3: {  	v14 =	vmul.f32 v14, v14;
	v20 =	vmov s18;
	v11 =	vld [tilespmem:s16+$0x30];
	v18 =	vadd.f32 v22, v21  }
0xd4: {  	v22 =	vmul.f32 v29, v1;
	v21 =	vld [tilespmem:s16+$0xFFFFFFA0];
	v23 =	vmul.f32 v26, v2;
	v13 =	vadd.f32 v13, v12  }
0xd5: {  	v25 =	vadd.f32 v17, v16;
	v16 =	vmul.f32 v10, v10;
	v24 =	vmul.f32 v27, v2;
	v12 =	vld [tilespmem:s16+$0x40];
	(xrf2) =	vadd.scan.msk.f32 $0xffff, v18  }
0xd6: {  	v30 =	vld [tilespmem:s16+$0xFFFFFFB0];
	v17 =	vadd.f32 v23, v22;
	v18 =	vmul.f32 v28, v3;
	v14 =	vadd.f32 v14, v13  }
0xd7: {  	v23 =	vmov s17;
	v22 =	vmul.f32 v19, v1;
	v19 =	vmul.f32 v19, v19;
	v13 =	vld [tilespmem:s16+$0x50]  }
0xd8: {  	v10 =	vld [tilespmem:s16+$0x70];
	v17 =	vadd.f32 v18, v17;
	v18 =	vmul.f32 v11, v4;
	v16 =	vadd.f32 v16, v14;
	v31, _, _ =	vpop (xrf2)  }
0xd9: {  	v23 =	vand.u32 $0xFFFFFFFE, v23;
	v22 =	vadd.f32 v24, v22;
	v24 =	vmul.f32 v21, v3;
	v14 =	vld [tilespmem:s16+$0x60];
	[tilespmem:v20+s23+$0x0] =	vst.idx.msk vm0, v31  }
0xda: {  	v20 =	vmul.f32 v27, v27;
	v17 =	vadd.f32 v18, v17;
	v27 =	vmul.f32 v12, v5;
	[tilespmem:s24+$0x0] =	vst.add.f32.msk $0xffff, v16  }
0xdb: {  	v21 =	vmul.f32 v21, v21;
	v18 =	vld [tilespmem:s16+$0xFFFFFFC0];
	v22 =	vadd.f32 v24, v22;
	v24 =	vmul.f32 v30, v4  }
0xdc: {  	v19 =	vadd.f32 v20, v19;
	v16 =	vld [tilespmem:s16+$0xFFFFFFD0];
	v32 =	vadd.f32 v27, v17;
	v27 =	vmul.f32 v13, v6  }
0xdd: {  	v25 =	vadd.f32 v15, v25;
	v17 =	vld [tilespmem:s16+$0xFFFFFFE0];
	v22 =	vadd.f32 v24, v22;
	v24 =	vmul.f32 v30, v30  }
0xde: {  	v21 =	vadd.f32 v21, v19;
	v15 =	vld [tilespmem:s16+$0xFFFFFFF0];
	v27 =	vadd.f32 v27, v32;
	v30 =	vmul.f32 v14, v7  }
.Ltmp1:
0xdf: {  	v31 =	vmul.f32 v10, v8;
	v19 =	vbroadcast v23, $0x0;
	v20, _, _ =	vpop (xrf2);
	[tilespmem:s24+$0x0] =	vst.add.f32.msk $0xffff, v9;
	v9 =	vmov v25;
	(pc) =	sbr.rel @p1 .LBB2_5-.Ltmp1, $4  }
0xe0: {  	v26 =	vmul.f32 v26, v26;
	v25 =	vmul.f32 v29, v29;
	v29 =	vadd.f32 v30, v27  }
0xe1: {  	v21 =	vadd.f32 v24, v21;
	v24 =	vmul.f32 v18, v5;
	v23 =	vmul.f32 v16, v6  }
0xe2: {  	v27 =	vmul.f32 v28, v28;
	v25 =	vadd.f32 v26, v25;
	v26 =	vadd.f32 v31, v29  }
0xe3: {  	s16 =	sadd.s32 $0x100, s16;
	v28 =	vadd.f32 v24, v22;
	v24 =	vmul.f32 v17, v7;
	v22 =	vmul.f32 v15, v8  }
0xe4: {  	_ = 	snop  }
0xe5: {  	v1 =	vadd.f32 v23, v28;
	_ =	sdelay $0x1  }
0xe6: {  	v2 =	vadd.f32 v27, v25;
	v3 =	vmul.f32 v11, v11;
	v1 =	vadd.f32 v24, v1;
	_ =	sdelay $0x1  }
0xe7: {  	(xrf2) =	vadd.scan.msk.f32 $0xffff, v26;
	v2 =	vadd.f32 v3, v2;
	v3 =	vmul.f32 v12, v12;
	v1 =	vadd.f32 v22, v1;
	_ =	sdelay $0x1  }
0xe8: {  	s14 =	sadd.s32 s14, s31;
	(xrf2) =	vadd.scan.msk.f32 $0xffff, v1;
	v1 =	vadd.f32 v3, v2;
	v2 =	vmul.f32 v13, v13;
	v3 =	vmul.f32 v18, v18  }
0xe9: {  	v4 =	vmul.f32 v14, v14;
	v6 =	vmul.f32 v16, v16;
	s15 =	sadd.s32 $0x34, s14  }
0xea: {  	s14 =	sadd.s32 $0x35, s14;
	v1 =	vadd.f32 v2, v1;
	v2 =	vmov s15;
	v3 =	vadd.f32 v3, v21  }
0xeb: {  	v5 =	vmov s14;
	v2 =	vand.u32 $0xFFFFFFFE, v2  }
0xec: {  	v1 =	vadd.f32 v4, v1;
	v4 =	vmul.f32 v17, v17;
	v3 =	vadd.f32 v6, v3  }
0xed: {  	v2 =	vbroadcast v2, $0x0  }
0xee: {  	v7 =	vmul.f32 v10, v10;
	v3 =	vadd.f32 v4, v3  }
0xef: {  	[tilespmem:v19+s23+$0x0] =	vst.idx.msk vm0, v20  }
0xf0: {  	[tilespmem:s24+$0x0] =	vst.add.f32.msk $0xffff, v9;
	v6, _, _ =	vpop (xrf2);
	v1 =	vadd.f32 v7, v1;
	v7 =	vmul.f32 v15, v15  }
0xf1: {  	[tilespmem:v5+s23+$0x0] =	vst.idx.msk vm0, v6  }
0xf2: {  	[tilespmem:s24+$0x0] =	vst.add.f32.msk $0xffff, v1;
	v1 =	vadd.f32 v7, v3;
	v3, _, _ =	vpop (xrf2)  }
0xf3: {  	[tilespmem:v2+s23+$0x0] =	vst.idx.msk vm0, v3  }
0xf4: {  	s16 =	simm.s32 @!p0 $0x9C80;
	s14 =	sadd.s32 @!p0 $0x300, s1;
	s15 =	simm.s32 @!p0 $0x32;
	[tilespmem:s24+$0x0] =	vst.add.f32.msk $0xffff, v1  }
0xf5: {  	[tilespmem:s16], [sflag:$0x2] =	stream.indirect.gather @!p0 [hbm4b:s3+s15], $0x80, s14, s15, $0xb8;
	[tilespmem:$0x10B00] =	vst v63  }
0xf6: {  	s12 =	sor.u32 $0x2, s12;
	_ =	swait.ge [sflag:s26], $0x1900  }
0xf7: {  	s12 =	sshll.u32 s12, $0x7;
	[sflag:s26] =	ssyncset.done $0x0  }
0xf8: {  	s12 =	sand.u32 $0x3FFFFF80, s12;
	[sflag:s26] =	ssyncadd.s32 $0xFFFFE700  }
0xf9: {  	v1 =	vld [tilespmem:s12+$0x4080]  }
0xfa: {  	v2 =	vld [tilespmem:s12+$0x4090]  }
0xfb: {  	v3 =	vld [tilespmem:s12+$0x40A0]  }
0xfc: {  	v4 =	vld [tilespmem:s12+$0x40B0]  }
0xfd: {  	v5 =	vld [tilespmem:s12+$0x40C0]  }
0xfe: {  	v6 =	vld [tilespmem:s12+$0x40D0]  }
0xff: {  	v7 =	vld [tilespmem:s12+$0x40E0]  }
0x100: {  	v8 =	vld [tilespmem:s12+$0x40F0];
	_ =	sdelay $0x1  }
0x101: {  	v9 =	vmul.f32 v1, v1;
	v10 =	vmul.f32 v2, v2  }
0x102: {  	v11 =	vmul.f32 v3, v3;
	v12 =	vmul.f32 v4, v4  }
0x103: {  	v13 =	vmul.f32 v5, v5;
	v14 =	vmul.f32 v6, v6  }
0x104: {  	v15 =	vmul.f32 v7, v7;
	v16 =	vmul.f32 v8, v8  }
0x105: {  	v9 =	vadd.f32 v10, v9;
	v10 =	vadd.f32 v12, v11  }
0x106: {  	v11 =	vadd.f32 v14, v13;
	v12 =	vadd.f32 v16, v15;
	_ =	sdelay $0x1  }
0x107: {  	v9 =	vadd.f32 v10, v9;
	v10 =	vadd.f32 v12, v11;
	_ =	sdelay $0x1  }
0x108: {  	v9 =	vadd.f32 v10, v9;
	_ =	sdelay $0x1  }
0x109: {  	s15 =	simm.s32 $0xB900;
	[tilespmem:s22+$0x0] =	vst.add.f32.msk $0xffff, v9  }
0x10a: {  	v9 =	vld [tilespmem:s15+$0x0]  }
0x10b: {  	v10 =	vld [tilespmem:s15+$0x10]  }
0x10c: {  	v11 =	vld [tilespmem:s15+$0xFFFFFF90]  }
0x10d: {  	v13 =	vld [tilespmem:s15+$0xFFFFFF80]  }
0x10e: {  	v12 =	vld [tilespmem:s15+$0x20]  }
0x10f: {  	v15 =	vld [tilespmem:s15+$0xFFFFFFA0]  }
0x110: {  	v14 =	vld [tilespmem:s15+$0x30];
	v16 =	vmul.f32 v9, v1  }
0x111: {  	v18 =	vld [tilespmem:s15+$0x40];
	v17 =	vmul.f32 v10, v2;
	v20 =	vmul.f32 v11, v2  }
0x112: {  	v19 =	vld [tilespmem:s15+$0xFFFFFFB0];
	v21 =	vmul.f32 v13, v1;
	v13 =	vmul.f32 v13, v13  }
0x113: {  	v26 =	vld [tilespmem:s15+$0xFFFFFFD0];
	v11 =	vmul.f32 v11, v11;
	v16 =	vadd.f32 v17, v16;
	v17 =	vmul.f32 v12, v3  }
0x114: {  	v22 =	vld [tilespmem:s15+$0x50];
	v9 =	vmul.f32 v9, v9;
	v20 =	vadd.f32 v20, v21;
	v21 =	vmul.f32 v15, v3  }
0x115: {  	v10 =	vmul.f32 v10, v10;
	v16 =	vadd.f32 v17, v16;
	v17 =	vmul.f32 v14, v4  }
0x116: {  	v23 =	vld [tilespmem:s15+$0x60];
	v15 =	vmul.f32 v15, v15;
	v11 =	vadd.f32 v11, v13;
	v20 =	vadd.f32 v21, v20  }
0x117: {  	v24 =	vld [tilespmem:s15+$0x70];
	v21 =	vmul.f32 v19, v4;
	v16 =	vadd.f32 v17, v16;
	v17 =	vmul.f32 v18, v5  }
0x118: {  	v25 =	vld [tilespmem:s15+$0xFFFFFFC0];
	v9 =	vadd.f32 v10, v9;
	v10 =	vmul.f32 v12, v12;
	v12 =	vmul.f32 v26, v6  }
0x119: {  	v13 =	vadd.f32 v21, v20;
	v20 =	vld [tilespmem:s15+$0xFFFFFFE0];
	v16 =	vadd.f32 v17, v16;
	v17 =	vmul.f32 v22, v6  }
0x11a: {  	v19 =	vmul.f32 v19, v19;
	v9 =	vadd.f32 v10, v9;
	v10 =	vmul.f32 v14, v14  }
0x11b: {  	v11 =	vadd.f32 v15, v11;
	v21 =	vld [tilespmem:s15+$0xFFFFFFF0];
	v16 =	vadd.f32 v17, v16;
	v17 =	vmul.f32 v23, v7  }
0x11c: {  	v15 =	vmul.f32 v24, v8;
	v9 =	vadd.f32 v10, v9;
	v10 =	vmul.f32 v18, v18  }
0x11d: {  	s16 =	simm.s32 $0xBA00;
	v11 =	vadd.f32 v19, v11;
	v16 =	vadd.f32 v17, v16;
	v17 =	vmul.f32 v25, v5  }
0x11e: {  	v27 =	vld [tilespmem:s16+$0x0];
	v9 =	vadd.f32 v10, v9;
	v10 =	vmul.f32 v22, v22;
	v14 =	vmul.f32 v20, v7  }
0x11f: {  	v15 =	vadd.f32 v15, v16;
	v13 =	vadd.f32 v17, v13;
	v16 =	vmul.f32 v25, v25;
	v25 =	vld [tilespmem:s16+$0x10]  }
0x120: {  	v18 =	vmul.f32 v20, v20;
	v19 =	vmul.f32 v21, v21;
	v17 =	vld [tilespmem:s16+$0xFFFFFF90]  }
0x121: {  	v20 =	vld [tilespmem:s16+$0x20];
	v12 =	vadd.f32 v12, v13;
	v13 =	vmul.f32 v26, v26;
	v11 =	vadd.f32 v16, v11  }
0x122: {  	s17 =	sadd.s32 $0xFFFFFFFE, s31;
	v9 =	vadd.f32 v10, v9;
	v16 =	vmul.f32 v21, v8;
	v21 =	vmul.f32 v23, v23;
	(xrf2) =	vadd.scan.msk.f32 $0xffff, v15;
	v15 =	vld [tilespmem:s16+$0xFFFFFFA0]  }
0x123: {  	s14 =	sadd.s32 $0x66, s17;
	v23 =	vmul.f32 v27, v1;
	v12 =	vadd.f32 v14, v12;
	v13 =	vadd.f32 v13, v11;
	v11 =	vld [tilespmem:s16+$0x30]  }
0x124: {  	v30 =	vmov s14;
	v27 =	vmul.f32 v27, v27;
	v14 =	vld [tilespmem:s16+$0xFFFFFF80];
	v26 =	vmul.f32 v25, v2  }
0x125: {  	v9 =	vadd.f32 v21, v9;
	v10 =	vmul.f32 v17, v2;
	v16 =	vadd.f32 v16, v12;
	v12 =	vld [tilespmem:s16+$0x40]  }
0x126: {  	v17 =	vmul.f32 v17, v17;
	v23 =	vadd.f32 v26, v23;
	v26 =	vmul.f32 v20, v3  }
0x127: {  	v25 =	vmul.f32 v25, v25;
	v28 =	vadd.f32 v18, v13;
	v18 =	vmul.f32 v24, v24;
	v13 =	vld [tilespmem:s16+$0x50]  }
0x128: {  	s18 =	sadd.s32 $0x67, s17;
	v24 =	vld [tilespmem:s16+$0xFFFFFFB0];
	v32 =	vmul.f32 v15, v15;
	v23 =	vadd.f32 v26, v23;
	v26 =	vmul.f32 v11, v4  }
0x129: {  	v22 =	vmov s18;
	(xrf2) =	vadd.scan.msk.f32 $0xffff, v16;
	v21 =	vmul.f32 v14, v1;
	v29 =	vmul.f32 v14, v14;
	v14 =	vld [tilespmem:s16+$0x60]  }
0x12a: {  	v31 =	vadd.f32 v18, v9;
	v18 =	vld [tilespmem:s16+$0xFFFFFFC0];
	v23 =	vadd.f32 v26, v23;
	v26 =	vmul.f32 v12, v5  }
0x12b: {  	v25 =	vadd.f32 v25, v27;
	v16 =	vmul.f32 v15, v3;
	v9 =	vadd.f32 v10, v21;
	v10 =	vld [tilespmem:s16+$0x70]  }
0x12c: {  	v15 =	vld [tilespmem:s16+$0xFFFFFFF0];
	v21 =	vand.u32 $0xFFFFFFFE, v30;
	v23 =	vadd.f32 v26, v23;
	v26 =	vmul.f32 v13, v6  }
0x12d: {  	v30 =	vmul.f32 v24, v4;
	v29 =	vadd.f32 v17, v29;
	v17 =	vld [tilespmem:s16+$0xFFFFFFE0];
	v9 =	vadd.f32 v16, v9  }
0x12e: {  	v24 =	vmul.f32 v24, v24;
	v33, _, _ =	vpop (xrf2);
	v16 =	vld [tilespmem:s16+$0xFFFFFFD0];
	v23 =	vadd.f32 v26, v23;
	v26 =	vmul.f32 v14, v7  }
0x12f: {  	[tilespmem:v22+s23+$0x0] =	vst.idx.msk vm0, v33;
	v22 =	vadd.f32 v32, v29;
	v30 =	vadd.f32 v30, v9  }
0x130: {  	v9 =	vadd.f32 v19, v28;
	v28 =	vmul.f32 v10, v8;
	v26 =	vadd.f32 v26, v23  }
0x131: {  	v19 =	vbroadcast v21, $0x0;
	v21 =	vadd.f32 v24, v22;
	v22 =	vmul.f32 v18, v5  }
0x132: {  	v27 =	vmul.f32 v20, v20;
	v24 =	vmul.f32 v17, v7;
	v26 =	vadd.f32 v28, v26  }
0x133: {  	s14 =	simm.s32 $0x2;
	s12 =	simm.s32 $0x0;
	s15 =	simm.s32 $0xBB00;
	[tilespmem:s24+$0x0] =	vst.add.f32.msk $0xffff, v31;
	v23 =	vmul.f32 v16, v6;
	v20, _, _ =	vpop (xrf2);
	v28 =	vadd.f32 v22, v30;
	v22 =	vmul.f32 v15, v8  }
.LBB2_7:
0x134: {  	v29 =	vld [tilespmem:s15+$0x0];
	v18 =	vmul.f32 v18, v18;
	v25 =	vadd.f32 v27, v25;
	v11 =	vmul.f32 v11, v11;
	(xrf2) =	vadd.scan.msk.f32 $0xffff, v26;
	s16 =	smov.u32 s14  }
0x135: {  	v16 =	vmul.f32 v16, v16;
	v17 =	vmul.f32 v17, v17;
	v26 =	vld [tilespmem:s15+$0x10];
	v23 =	vadd.f32 v23, v28  }
0x136: {  	s14 =	sadd.s32 $0x2, s14;
	v12 =	vmul.f32 v12, v12;
	v27 =	vld [tilespmem:s15+$0xFFFFFF90];
	v18 =	vadd.f32 v18, v21;
	v11 =	vadd.f32 v11, v25  }
0x137: {  	v15 =	vmul.f32 v15, v15;
	s17 =	sadd.s32 s12, s31;
	p1 =	slt.u32 s14, $0x30;
	s12 =	smov.u32 s16;
	v28 =	vld [tilespmem:s15+$0x20];
	v21 =	vadd.f32 v24, v23;
	[tilespmem:v19+s23+$0x0] =	vst.idx.msk vm0, v20  }
0x138: {  	v13 =	vmul.f32 v13, v13;
	s16 =	sadd.s32 $0x66, s17;
	s17 =	sadd.s32 $0x67, s17;
	v19 =	vld [tilespmem:s15+$0xFFFFFF80];
	v16 =	vadd.f32 v16, v18;
	v12 =	vadd.f32 v12, v11  }
0x139: {  	v14 =	vmul.f32 v14, v14;
	v20 =	vmov s17;
	v11 =	vld [tilespmem:s15+$0x30];
	v18 =	vadd.f32 v22, v21  }
0x13a: {  	v22 =	vmul.f32 v29, v1;
	v21 =	vld [tilespmem:s15+$0xFFFFFFA0];
	v23 =	vmul.f32 v26, v2;
	v13 =	vadd.f32 v13, v12  }
0x13b: {  	v25 =	vadd.f32 v17, v16;
	v16 =	vmul.f32 v10, v10;
	v24 =	vmul.f32 v27, v2;
	v12 =	vld [tilespmem:s15+$0x40];
	(xrf2) =	vadd.scan.msk.f32 $0xffff, v18  }
0x13c: {  	v30 =	vld [tilespmem:s15+$0xFFFFFFB0];
	v17 =	vadd.f32 v23, v22;
	v18 =	vmul.f32 v28, v3;
	v14 =	vadd.f32 v14, v13  }
0x13d: {  	v23 =	vmov s16;
	v22 =	vmul.f32 v19, v1;
	v19 =	vmul.f32 v19, v19;
	v13 =	vld [tilespmem:s15+$0x50]  }
0x13e: {  	v10 =	vld [tilespmem:s15+$0x70];
	v17 =	vadd.f32 v18, v17;
	v18 =	vmul.f32 v11, v4;
	v16 =	vadd.f32 v16, v14;
	v31, _, _ =	vpop (xrf2)  }
0x13f: {  	v23 =	vand.u32 $0xFFFFFFFE, v23;
	v22 =	vadd.f32 v24, v22;
	v24 =	vmul.f32 v21, v3;
	v14 =	vld [tilespmem:s15+$0x60];
	[tilespmem:v20+s23+$0x0] =	vst.idx.msk vm0, v31  }
0x140: {  	v20 =	vmul.f32 v27, v27;
	v17 =	vadd.f32 v18, v17;
	v27 =	vmul.f32 v12, v5;
	[tilespmem:s24+$0x0] =	vst.add.f32.msk $0xffff, v16  }
0x141: {  	v21 =	vmul.f32 v21, v21;
	v18 =	vld [tilespmem:s15+$0xFFFFFFC0];
	v22 =	vadd.f32 v24, v22;
	v24 =	vmul.f32 v30, v4  }
0x142: {  	v19 =	vadd.f32 v20, v19;
	v16 =	vld [tilespmem:s15+$0xFFFFFFD0];
	v32 =	vadd.f32 v27, v17;
	v27 =	vmul.f32 v13, v6  }
0x143: {  	v25 =	vadd.f32 v15, v25;
	v17 =	vld [tilespmem:s15+$0xFFFFFFE0];
	v22 =	vadd.f32 v24, v22;
	v24 =	vmul.f32 v30, v30  }
0x144: {  	v21 =	vadd.f32 v21, v19;
	v15 =	vld [tilespmem:s15+$0xFFFFFFF0];
	v27 =	vadd.f32 v27, v32;
	v30 =	vmul.f32 v14, v7  }
.Ltmp2:
0x145: {  	v31 =	vmul.f32 v10, v8;
	v19 =	vbroadcast v23, $0x0;
	v20, _, _ =	vpop (xrf2);
	[tilespmem:s24+$0x0] =	vst.add.f32.msk $0xffff, v9;
	v9 =	vmov v25;
	(pc) =	sbr.rel @p1 .LBB2_7-.Ltmp2, $4  }
0x146: {  	v26 =	vmul.f32 v26, v26;
	v25 =	vmul.f32 v29, v29;
	v29 =	vadd.f32 v30, v27  }
0x147: {  	v21 =	vadd.f32 v24, v21;
	v24 =	vmul.f32 v18, v5;
	v23 =	vmul.f32 v16, v6  }
0x148: {  	v27 =	vmul.f32 v28, v28;
	v25 =	vadd.f32 v26, v25;
	v26 =	vadd.f32 v31, v29  }
0x149: {  	s15 =	sadd.s32 $0x100, s15;
	v28 =	vadd.f32 v24, v22;
	v24 =	vmul.f32 v17, v7;
	v22 =	vmul.f32 v15, v8  }
0x14a: {  	_ = 	snop  }
0x14b: {  	v1 =	vadd.f32 v23, v28;
	_ =	sdelay $0x1  }
0x14c: {  	v2 =	vadd.f32 v27, v25;
	v3 =	vmul.f32 v11, v11;
	v1 =	vadd.f32 v24, v1;
	_ =	sdelay $0x1  }
0x14d: {  	(xrf2) =	vadd.scan.msk.f32 $0xffff, v26;
	v2 =	vadd.f32 v3, v2;
	v3 =	vmul.f32 v12, v12;
	v1 =	vadd.f32 v22, v1;
	_ =	sdelay $0x1  }
0x14e: {  	s12 =	sadd.s32 s12, s31;
	(xrf2) =	vadd.scan.msk.f32 $0xffff, v1;
	v1 =	vadd.f32 v3, v2;
	v2 =	vmul.f32 v13, v13;
	v3 =	vmul.f32 v18, v18  }
0x14f: {  	v4 =	vmul.f32 v14, v14;
	v6 =	vmul.f32 v16, v16;
	s14 =	sadd.s32 $0x66, s12  }
0x150: {  	s12 =	sadd.s32 $0x67, s12;
	v1 =	vadd.f32 v2, v1;
	v2 =	vmov s14;
	v3 =	vadd.f32 v3, v21  }
0x151: {  	v5 =	vmov s12;
	v2 =	vand.u32 $0xFFFFFFFE, v2  }
0x152: {  	v1 =	vadd.f32 v4, v1;
	v4 =	vmul.f32 v17, v17;
	v3 =	vadd.f32 v6, v3  }
0x153: {  	v2 =	vbroadcast v2, $0x0  }
0x154: {  	v7 =	vmul.f32 v10, v10;
	v3 =	vadd.f32 v4, v3  }
0x155: {  	[tilespmem:v19+s23+$0x0] =	vst.idx.msk vm0, v20  }
0x156: {  	[tilespmem:s24+$0x0] =	vst.add.f32.msk $0xffff, v9;
	v6, _, _ =	vpop (xrf2);
	v1 =	vadd.f32 v7, v1;
	v7 =	vmul.f32 v15, v15  }
0x157: {  	[tilespmem:v5+s23+$0x0] =	vst.idx.msk vm0, v6  }
0x158: {  	[tilespmem:s24+$0x0] =	vst.add.f32.msk $0xffff, v1;
	v1 =	vadd.f32 v7, v3;
	v3, _, _ =	vpop (xrf2)  }
0x159: {  	[tilespmem:v2+s23+$0x0] =	vst.idx.msk vm0, v3  }
0x15a: {  	s1 =	sadd.s32 @!p0 $0x380, s1;
	s12 =	simm.s32 @!p0 $0x32;
	s14 =	simm.s32 @!p0 $0xB880;
	[tilespmem:s24+$0x0] =	vst.add.f32.msk $0xffff, v1  }
0x15b: {  	[tilespmem:s14], [sflag:$0x3] =	stream.indirect.gather @!p0 [hbm4b:s3+s12], $0x80, s1, s12, $0xb8;
	[tilespmem:$0x10B00] =	vst v63  }
0x15c: {  	_ =	swait.ge [sflag:s28], $0x1900  }
0x15d: {  	[sflag:s28] =	ssyncset.done $0x0  }
0x15e: {  	s0 =	sshra.s32 s0, $0x2;
	[sflag:s28] =	ssyncadd.s32 $0xFFFFE700  }
0x15f: {  	v1 =	vld [tilespmem:s0+$0x4080]  }
0x160: {  	v2 =	vld [tilespmem:s0+$0x4090]  }
0x161: {  	v3 =	vld [tilespmem:s0+$0x40A0]  }
0x162: {  	v4 =	vld [tilespmem:s0+$0x40B0]  }
0x163: {  	v5 =	vld [tilespmem:s0+$0x40C0]  }
0x164: {  	v6 =	vld [tilespmem:s0+$0x40D0]  }
0x165: {  	v7 =	vld [tilespmem:s0+$0x40E0]  }
0x166: {  	v8 =	vld [tilespmem:s0+$0x40F0];
	_ =	sdelay $0x1  }
0x167: {  	v9 =	vmul.f32 v1, v1;
	v10 =	vmul.f32 v2, v2  }
0x168: {  	v11 =	vmul.f32 v3, v3;
	v12 =	vmul.f32 v4, v4  }
0x169: {  	v13 =	vmul.f32 v5, v5;
	v14 =	vmul.f32 v6, v6  }
0x16a: {  	v15 =	vmul.f32 v7, v7;
	v16 =	vmul.f32 v8, v8  }
0x16b: {  	v9 =	vadd.f32 v10, v9;
	v10 =	vadd.f32 v12, v11  }
0x16c: {  	v11 =	vadd.f32 v14, v13;
	v12 =	vadd.f32 v16, v15;
	_ =	sdelay $0x1  }
0x16d: {  	v9 =	vadd.f32 v10, v9;
	v10 =	vadd.f32 v12, v11;
	_ =	sdelay $0x1  }
0x16e: {  	v9 =	vadd.f32 v10, v9;
	_ =	sdelay $0x1  }
0x16f: {  	s15 =	simm.s32 $0xD500;
	[tilespmem:s22+$0x0] =	vst.add.f32.msk $0xffff, v9  }
0x170: {  	v9 =	vld [tilespmem:s15+$0x0]  }
0x171: {  	v10 =	vld [tilespmem:s15+$0x10]  }
0x172: {  	v11 =	vld [tilespmem:s15+$0xFFFFFF90]  }
0x173: {  	v13 =	vld [tilespmem:s15+$0xFFFFFF80]  }
0x174: {  	v12 =	vld [tilespmem:s15+$0x20]  }
0x175: {  	v15 =	vld [tilespmem:s15+$0xFFFFFFA0]  }
0x176: {  	v14 =	vld [tilespmem:s15+$0x30];
	v16 =	vmul.f32 v9, v1  }
0x177: {  	v18 =	vld [tilespmem:s15+$0x40];
	v17 =	vmul.f32 v10, v2;
	v20 =	vmul.f32 v11, v2  }
0x178: {  	v19 =	vld [tilespmem:s15+$0xFFFFFFB0];
	v21 =	vmul.f32 v13, v1;
	v13 =	vmul.f32 v13, v13  }
0x179: {  	v26 =	vld [tilespmem:s15+$0xFFFFFFD0];
	v11 =	vmul.f32 v11, v11;
	v16 =	vadd.f32 v17, v16;
	v17 =	vmul.f32 v12, v3  }
0x17a: {  	v22 =	vld [tilespmem:s15+$0x50];
	v9 =	vmul.f32 v9, v9;
	v20 =	vadd.f32 v20, v21;
	v21 =	vmul.f32 v15, v3  }
0x17b: {  	v10 =	vmul.f32 v10, v10;
	v16 =	vadd.f32 v17, v16;
	v17 =	vmul.f32 v14, v4  }
0x17c: {  	v23 =	vld [tilespmem:s15+$0x60];
	v15 =	vmul.f32 v15, v15;
	v11 =	vadd.f32 v11, v13;
	v20 =	vadd.f32 v21, v20  }
0x17d: {  	v24 =	vld [tilespmem:s15+$0x70];
	v21 =	vmul.f32 v19, v4;
	v16 =	vadd.f32 v17, v16;
	v17 =	vmul.f32 v18, v5  }
0x17e: {  	v25 =	vld [tilespmem:s15+$0xFFFFFFC0];
	v9 =	vadd.f32 v10, v9;
	v10 =	vmul.f32 v12, v12;
	v12 =	vmul.f32 v26, v6  }
0x17f: {  	v13 =	vadd.f32 v21, v20;
	v20 =	vld [tilespmem:s15+$0xFFFFFFE0];
	v16 =	vadd.f32 v17, v16;
	v17 =	vmul.f32 v22, v6  }
0x180: {  	v19 =	vmul.f32 v19, v19;
	v9 =	vadd.f32 v10, v9;
	v10 =	vmul.f32 v14, v14  }
0x181: {  	v11 =	vadd.f32 v15, v11;
	v21 =	vld [tilespmem:s15+$0xFFFFFFF0];
	v16 =	vadd.f32 v17, v16;
	v17 =	vmul.f32 v23, v7  }
0x182: {  	v15 =	vmul.f32 v24, v8;
	v9 =	vadd.f32 v10, v9;
	v10 =	vmul.f32 v18, v18  }
0x183: {  	s16 =	simm.s32 $0xD600;
	v11 =	vadd.f32 v19, v11;
	v16 =	vadd.f32 v17, v16;
	v17 =	vmul.f32 v25, v5  }
0x184: {  	v27 =	vld [tilespmem:s16+$0x0];
	v9 =	vadd.f32 v10, v9;
	v10 =	vmul.f32 v22, v22;
	v14 =	vmul.f32 v20, v7  }
0x185: {  	v15 =	vadd.f32 v15, v16;
	v13 =	vadd.f32 v17, v13;
	v16 =	vmul.f32 v25, v25;
	v25 =	vld [tilespmem:s16+$0x10]  }
0x186: {  	v18 =	vmul.f32 v20, v20;
	v19 =	vmul.f32 v21, v21;
	v17 =	vld [tilespmem:s16+$0xFFFFFF90]  }
0x187: {  	v20 =	vld [tilespmem:s16+$0x20];
	v12 =	vadd.f32 v12, v13;
	v13 =	vmul.f32 v26, v26;
	v11 =	vadd.f32 v16, v11  }
0x188: {  	s17 =	sadd.s32 $0xFFFFFFFE, s31;
	v9 =	vadd.f32 v10, v9;
	v16 =	vmul.f32 v21, v8;
	v21 =	vmul.f32 v23, v23;
	(xrf2) =	vadd.scan.msk.f32 $0xffff, v15;
	v15 =	vld [tilespmem:s16+$0xFFFFFFA0]  }
0x189: {  	s1 =	sadd.s32 $0x98, s17;
	v23 =	vmul.f32 v27, v1;
	v12 =	vadd.f32 v14, v12;
	v13 =	vadd.f32 v13, v11;
	v11 =	vld [tilespmem:s16+$0x30]  }
0x18a: {  	v30 =	vmov s1;
	v27 =	vmul.f32 v27, v27;
	v14 =	vld [tilespmem:s16+$0xFFFFFF80];
	v26 =	vmul.f32 v25, v2  }
0x18b: {  	v9 =	vadd.f32 v21, v9;
	v10 =	vmul.f32 v17, v2;
	v16 =	vadd.f32 v16, v12;
	v12 =	vld [tilespmem:s16+$0x40]  }
0x18c: {  	v17 =	vmul.f32 v17, v17;
	v23 =	vadd.f32 v26, v23;
	v26 =	vmul.f32 v20, v3  }
0x18d: {  	v25 =	vmul.f32 v25, v25;
	v28 =	vadd.f32 v18, v13;
	v18 =	vmul.f32 v24, v24;
	v13 =	vld [tilespmem:s16+$0x50]  }
0x18e: {  	s18 =	sadd.s32 $0x99, s17;
	v24 =	vld [tilespmem:s16+$0xFFFFFFB0];
	v32 =	vmul.f32 v15, v15;
	v23 =	vadd.f32 v26, v23;
	v26 =	vmul.f32 v11, v4  }
0x18f: {  	v22 =	vmov s18;
	(xrf2) =	vadd.scan.msk.f32 $0xffff, v16;
	v21 =	vmul.f32 v14, v1;
	v29 =	vmul.f32 v14, v14;
	v14 =	vld [tilespmem:s16+$0x60]  }
0x190: {  	v31 =	vadd.f32 v18, v9;
	v18 =	vld [tilespmem:s16+$0xFFFFFFC0];
	v23 =	vadd.f32 v26, v23;
	v26 =	vmul.f32 v12, v5  }
0x191: {  	v25 =	vadd.f32 v25, v27;
	v16 =	vmul.f32 v15, v3;
	v9 =	vadd.f32 v10, v21;
	v10 =	vld [tilespmem:s16+$0x70]  }
0x192: {  	v15 =	vld [tilespmem:s16+$0xFFFFFFF0];
	v21 =	vand.u32 $0xFFFFFFFE, v30;
	v23 =	vadd.f32 v26, v23;
	v26 =	vmul.f32 v13, v6  }
0x193: {  	v30 =	vmul.f32 v24, v4;
	v29 =	vadd.f32 v17, v29;
	v17 =	vld [tilespmem:s16+$0xFFFFFFE0];
	v9 =	vadd.f32 v16, v9  }
0x194: {  	v24 =	vmul.f32 v24, v24;
	v33, _, _ =	vpop (xrf2);
	v16 =	vld [tilespmem:s16+$0xFFFFFFD0];
	v23 =	vadd.f32 v26, v23;
	v26 =	vmul.f32 v14, v7  }
0x195: {  	[tilespmem:v22+s23+$0x0] =	vst.idx.msk vm0, v33;
	v22 =	vadd.f32 v32, v29;
	v30 =	vadd.f32 v30, v9  }
0x196: {  	v9 =	vadd.f32 v19, v28;
	v28 =	vmul.f32 v10, v8;
	v26 =	vadd.f32 v26, v23  }
0x197: {  	v19 =	vbroadcast v21, $0x0;
	v21 =	vadd.f32 v24, v22;
	v22 =	vmul.f32 v18, v5  }
0x198: {  	v27 =	vmul.f32 v20, v20;
	v24 =	vmul.f32 v17, v7;
	v26 =	vadd.f32 v28, v26  }
0x199: {  	s12 =	simm.s32 $0xD700;
	s1 =	simm.s32 $0x2;
	s0 =	simm.s32 $0x0;
	[tilespmem:s24+$0x0] =	vst.add.f32.msk $0xffff, v31;
	v23 =	vmul.f32 v16, v6;
	v20, _, _ =	vpop (xrf2);
	v28 =	vadd.f32 v22, v30;
	v22 =	vmul.f32 v15, v8  }
.LBB2_9:
0x19a: {  	v29 =	vld [tilespmem:s12+$0x0];
	v18 =	vmul.f32 v18, v18;
	v25 =	vadd.f32 v27, v25;
	v11 =	vmul.f32 v11, v11;
	(xrf2) =	vadd.scan.msk.f32 $0xffff, v26;
	s14 =	smov.u32 s1  }
0x19b: {  	v16 =	vmul.f32 v16, v16;
	v17 =	vmul.f32 v17, v17;
	v26 =	vld [tilespmem:s12+$0x10];
	v23 =	vadd.f32 v23, v28  }
0x19c: {  	s1 =	sadd.s32 $0x2, s1;
	v12 =	vmul.f32 v12, v12;
	v27 =	vld [tilespmem:s12+$0xFFFFFF90];
	v18 =	vadd.f32 v18, v21;
	v11 =	vadd.f32 v11, v25  }
0x19d: {  	v15 =	vmul.f32 v15, v15;
	s15 =	sadd.s32 s0, s31;
	p0 =	slt.u32 s1, $0x30;
	s0 =	smov.u32 s14;
	v28 =	vld [tilespmem:s12+$0x20];
	v21 =	vadd.f32 v24, v23;
	[tilespmem:v19+s23+$0x0] =	vst.idx.msk vm0, v20  }
0x19e: {  	v13 =	vmul.f32 v13, v13;
	s14 =	sadd.s32 $0x98, s15;
	s15 =	sadd.s32 $0x99, s15;
	v19 =	vld [tilespmem:s12+$0xFFFFFF80];
	v16 =	vadd.f32 v16, v18;
	v12 =	vadd.f32 v12, v11  }
0x19f: {  	v14 =	vmul.f32 v14, v14;
	v20 =	vmov s15;
	v11 =	vld [tilespmem:s12+$0x30];
	v18 =	vadd.f32 v22, v21  }
0x1a0: {  	v22 =	vmul.f32 v29, v1;
	v21 =	vld [tilespmem:s12+$0xFFFFFFA0];
	v23 =	vmul.f32 v26, v2;
	v13 =	vadd.f32 v13, v12  }
0x1a1: {  	v25 =	vadd.f32 v17, v16;
	v16 =	vmul.f32 v10, v10;
	v24 =	vmul.f32 v27, v2;
	v12 =	vld [tilespmem:s12+$0x40];
	(xrf2) =	vadd.scan.msk.f32 $0xffff, v18  }
0x1a2: {  	v30 =	vld [tilespmem:s12+$0xFFFFFFB0];
	v17 =	vadd.f32 v23, v22;
	v18 =	vmul.f32 v28, v3;
	v14 =	vadd.f32 v14, v13  }
0x1a3: {  	v23 =	vmov s14;
	v22 =	vmul.f32 v19, v1;
	v19 =	vmul.f32 v19, v19;
	v13 =	vld [tilespmem:s12+$0x50]  }
0x1a4: {  	v10 =	vld [tilespmem:s12+$0x70];
	v17 =	vadd.f32 v18, v17;
	v18 =	vmul.f32 v11, v4;
	v16 =	vadd.f32 v16, v14;
	v31, _, _ =	vpop (xrf2)  }
0x1a5: {  	v23 =	vand.u32 $0xFFFFFFFE, v23;
	v22 =	vadd.f32 v24, v22;
	v24 =	vmul.f32 v21, v3;
	v14 =	vld [tilespmem:s12+$0x60];
	[tilespmem:v20+s23+$0x0] =	vst.idx.msk vm0, v31  }
0x1a6: {  	v20 =	vmul.f32 v27, v27;
	v17 =	vadd.f32 v18, v17;
	v27 =	vmul.f32 v12, v5;
	[tilespmem:s24+$0x0] =	vst.add.f32.msk $0xffff, v16  }
0x1a7: {  	v21 =	vmul.f32 v21, v21;
	v18 =	vld [tilespmem:s12+$0xFFFFFFC0];
	v22 =	vadd.f32 v24, v22;
	v24 =	vmul.f32 v30, v4  }
0x1a8: {  	v19 =	vadd.f32 v20, v19;
	v16 =	vld [tilespmem:s12+$0xFFFFFFD0];
	v32 =	vadd.f32 v27, v17;
	v27 =	vmul.f32 v13, v6  }
0x1a9: {  	v25 =	vadd.f32 v15, v25;
	v17 =	vld [tilespmem:s12+$0xFFFFFFE0];
	v22 =	vadd.f32 v24, v22;
	v24 =	vmul.f32 v30, v30  }
0x1aa: {  	v21 =	vadd.f32 v21, v19;
	v15 =	vld [tilespmem:s12+$0xFFFFFFF0];
	v27 =	vadd.f32 v27, v32;
	v30 =	vmul.f32 v14, v7  }
.Ltmp3:
0x1ab: {  	v31 =	vmul.f32 v10, v8;
	v19 =	vbroadcast v23, $0x0;
	v20, _, _ =	vpop (xrf2);
	[tilespmem:s24+$0x0] =	vst.add.f32.msk $0xffff, v9;
	v9 =	vmov v25;
	(pc) =	sbr.rel @p0 .LBB2_9-.Ltmp3, $4  }
0x1ac: {  	v26 =	vmul.f32 v26, v26;
	v25 =	vmul.f32 v29, v29;
	v29 =	vadd.f32 v30, v27  }
0x1ad: {  	v21 =	vadd.f32 v24, v21;
	v24 =	vmul.f32 v18, v5;
	v23 =	vmul.f32 v16, v6  }
0x1ae: {  	v27 =	vmul.f32 v28, v28;
	v25 =	vadd.f32 v26, v25;
	v26 =	vadd.f32 v31, v29  }
0x1af: {  	s12 =	sadd.s32 $0x100, s12;
	v28 =	vadd.f32 v24, v22;
	v24 =	vmul.f32 v17, v7;
	v22 =	vmul.f32 v15, v8  }
0x1b0: {  	_ = 	snop  }
0x1b1: {  	v1 =	vadd.f32 v23, v28;
	_ =	sdelay $0x1  }
0x1b2: {  	v2 =	vadd.f32 v27, v25;
	v3 =	vmul.f32 v11, v11;
	v1 =	vadd.f32 v24, v1;
	_ =	sdelay $0x1  }
0x1b3: {  	(xrf2) =	vadd.scan.msk.f32 $0xffff, v26;
	v2 =	vadd.f32 v3, v2;
	v3 =	vmul.f32 v12, v12;
	v1 =	vadd.f32 v22, v1;
	_ =	sdelay $0x1  }
0x1b4: {  	(xrf2) =	vadd.scan.msk.f32 $0xffff, v1;
	v1 =	vadd.f32 v3, v2;
	v3 =	vmul.f32 v18, v18  }
0x1b5: {  	s0 =	sadd.s32 s0, s31;
	v2 =	vmul.f32 v13, v13  }
0x1b6: {  	v4 =	vmul.f32 v14, v14;
	v6 =	vmul.f32 v16, v16;
	s1 =	sadd.s32 $0x98, s0;
	v3 =	vadd.f32 v3, v21  }
0x1b7: {  	v61 =	vmul.f32 v17, v17;
	s0 =	sadd.s32 $0x99, s0;
	v1 =	vadd.f32 v2, v1;
	v2 =	vmov s1  }
0x1b8: {  	v5 =	vmov s0;
	v2 =	vand.u32 $0xFFFFFFFE, v2;
	v3 =	vadd.f32 v6, v3  }
0x1b9: {  	v2 =	vbroadcast v2, $0x0  }
0x1ba: {  	v7 =	vmul.f32 v10, v10;
	s2 =	sadd.s32 $0x1, s2;
	v1 =	vadd.f32 v4, v1;
	v3 =	vadd.f32 v61, v3  }
0x1bb: {  	[tilespmem:v19+s23+$0x0] =	vst.idx.msk vm0, v20;
	p0 =	sne.s32 s2, $0x20  }
.Ltmp4:
0x1bc: {  	v63 =	vmul.f32 v15, v15;
	[tilespmem:s24+$0x0] =	vst.add.f32.msk $0xffff, v9;
	v62, _, _ =	vpop (xrf2);
	v1 =	vadd.f32 v7, v1;
	(pc) =	sbr.rel @p0 .LBB2_2-.Ltmp4, $4  }
0x1bd: {  	[tilespmem:v5+s23+$0x0] =	vst.idx.msk vm0, v62  }
0x1be: {  	[tilespmem:s24+$0x0] =	vst.add.f32.msk $0xffff, v1;
	v1 =	vadd.f32 v63, v3;
	v3, _, _ =	vpop (xrf2)  }
0x1bf: {  	[tilespmem:v2+s23+$0x0] =	vst.idx.msk vm0, v3  }
0x1c0: {  	s31 =	sadd.s32 $0xC8, s31;
	[tilespmem:s24+$0x0] =	vst.add.f32.msk $0xffff, v1  }
0x1c1: {  	v1 =	vld [tilespmem:$0x10A80];
	_ =	sdelay $0x1  }
0x1c2: {  	v2 =	vld [tilespmem:$0x10A00];
	_ =	sdelay $0x2  }
0x1c3: {  	v1 =	vmul.f32 $5.000000000e+01, v1;
	_ =	sdelay $0x1  }
0x1c4: {  	v1 =	vadd.f32 v1, v2;
	_ =	sdelay $0x1  }
0x1c5: {  	[tilespmem:$0x10980] =	vst v1  }
0x1c6: {  	[hbm4b:s7+s4] =	stream.linear.scatter [tilespmem:s29], [sflag:$0x6], $0x80, $0x38;
	[tilespmem:$0x10B00] =	vst v63  }
0x1c7: {  	s30 =	sadd.s32 $0x1, s30;
	_ =	swait.ge [sflag:s10], $0x80  }
0x1c8: {  	p0 =	sne.s32 s30, s9;
	[sflag:s10] =	ssyncset.done $0x0  }
.Ltmp5:
0x1c9: {  	[sflag:s10] =	ssyncadd.s32 $0xFFFFFF80;
	(pc) =	sbr.rel @p0 .LBB2_1-.Ltmp5, $4  }
0x1ca: {  	[hbm4b:s8+s4] =	stream.linear.scatter [tilespmem:s23], [sflag:$0x6], $0x1900, $0x38;
	[tilespmem:$0x10B00] =	vst v63  }
0x1cb: {  	_ =	swait.ge [sflag:s10], $0x1900  }
0x1cc: {  	[sflag:s10] =	ssyncset.done $0x0  }
0x1cd: {  	[sflag:s10] =	ssyncadd.s32 $0xFFFFE700  }
0x1ce: {  	_ =	sfence.sel $0x180000  }
0x1cf: {  	[bflag:$0x0] =	sbarrier.arrive $0xFFFF  }
0x1d0: {  	_ =	strace $0x90000047  }
0x1d1: {  	s0 =	stileid.u32;
	[bflag:$0x2] =	sbarrier.arrive $0xFFFF  }
0x1d2: {  	p0 =	sne.s32 s0, $0x0;
	s0 =	rddreg [dreg:$0x5]  }
0x1d3: {  	s0 =	sadd.s32 @!p0 $0x100000, s0  }
0x1d4: {  	[sflag:s0] =	ssyncadd.tile.s32 @!p0 $0x1;
	_ =	shalt  }
.Lfunc_end2:
_tile_overlayer_lowered:
.L_overlay_start_2:
0x1d5: {  	(tag) =	ssettag $0x2  }
0x1d6: {  	s0 =	rddreg [dreg:$0x0];
	s2 =	stileid.u32  }
0x1d7: {  	s1 =	rddreg [dreg:$0x1];
	p0 =	sne.s32 s2, $0x0  }
0x1d8: {  	s3 =	rddreg [dreg:$0x2];
	[bflag:$0x3] =	sbarrier.arrive $0xFFFF;
	s2 =	simm.s32 @!p0 $0x1C06  }
0x1d9: {  	[timem:s3], [sflag:s2] =	dma.local @!p0 [hbm:s0], s1  }
0x1da: {  	s0 =	simm.s32 @!p0 $0x6  }
0x1db: {  	_ =	swait.ge @!p0 [sflag:s0], s1  }
0x1dc: {  	s1 =	ssub.s32 @!p0 $0x0, s1;
	[sflag:s0] =	ssyncset.done @!p0 $0x0  }
0x1dd: {  	[sflag:s0] =	ssyncadd.s32 @!p0 s1  }
0x1de: {  	[bflag:$0x3] =	sbarrier.arrive $0xFFFF  }
0x1df: {  	_ =	shalt  }

</sc_bundles>
